<compile_context>
chip_gen: v7x
topology: tpu7x:2x2x1
jax: 0.10.2.dev20260603
libtpu: 0.0.44.dev20260713+nightly
codegen_flags: <defaults>
</compile_context>

<pallas_src>
import jax
import jax.numpy as jnp
from jax.experimental import pallas as pl
from jax.experimental.pallas import tpu as pltpu
from jax.experimental.pallas import tpu_sc as plsc

_FEATURES = 64
_ROWS_PER_STEP = 8


def kernel(inputs, embedding):
    batch, seq = inputs.shape
    seq_pad = 56

    pad_cols = 128 - seq
    filler = (
        jax.lax.broadcasted_iota(jnp.int32, (batch, pad_cols), 0) * pad_cols
        + jax.lax.broadcasted_iota(jnp.int32, (batch, pad_cols), 1)
    )
    idx = jnp.concatenate([inputs.astype(jnp.int32), filler], axis=1)
    idx = idx.reshape(batch * 128)

    table = jnp.pad(embedding, ((0, 0), (0, 128 - _FEATURES)))

    mesh = plsc.VectorSubcoreMesh(
        core_axis_name="core", subcore_axis_name="subcore"
    )

    @pl.kernel(
        out_type=jax.ShapeDtypeStruct((batch * seq_pad, 128), embedding.dtype),
        mesh=mesh,
        scratch_types=[pltpu.SemaphoreType.DMA],
        compiler_params=pltpu.CompilerParams(use_tc_tiling_on_sc=False),
    )
    def _gather(x_hbm, i_hbm, o_hbm, sem):
        def body(i_vmem, o_vmem):
            copies = [
                pltpu.async_copy(
                    x_hbm.at[i_vmem.at[pl.ds(r * 128, seq_pad)]],
                    o_vmem.at[pl.ds(r * seq_pad, seq_pad)],
                    sem,
                )
                for r in range(_ROWS_PER_STEP)
            ]
            for c in copies:
                c.wait()

        pltpu.emit_pipeline(
            body,
            grid=(batch // _ROWS_PER_STEP,),
            in_specs=[
                pl.BlockSpec(
                    (_ROWS_PER_STEP * 128,), index_map=lambda i: (i,)
                )
            ],
            out_specs=[
                pl.BlockSpec(
                    (_ROWS_PER_STEP * seq_pad, 128),
                    index_map=lambda i: (i, 0),
                )
            ],
            core_axis_name=("core", "subcore"),
            dimension_semantics=(pltpu.PARALLEL,),
        )(i_hbm, o_hbm)

    out = _gather(table, idx)
    return out.reshape(batch, seq_pad, 128)[:, :seq, :_FEATURES]

# --- scband reference (transcript-rebuilt; emitter-appended) ---
"""Pipeline reference for scband-embed-52381421142084 (READ-ONLY COPY).

The authoritative reference and input builder live on the scoring server;
editing this copy changes nothing except your own understanding.
"""

import jax, jax.numpy as jnp
import numpy as np

NUM_EMBEDDINGS = 1000000
FEATURES = 64

def setup_inputs(seed: int = 0) -> dict:
    key = jax.random.key(seed)
    k_idx, k_emb = jax.random.split(key)
    inputs = jax.random.randint(k_idx, (4096, 50), 0, NUM_EMBEDDINGS, dtype=jnp.int64 if jax.config.jax_enable_x64 else jnp.int32)
    # variance_scaling(1.0, 'fan_in', 'normal', out_axis=0): fan_in = features
    std = 1.0 / np.sqrt(FEATURES)
    embedding = jax.random.normal(k_emb, (NUM_EMBEDDINGS, FEATURES), dtype=jnp.float32) * std
    return {"inputs": inputs, "embedding": embedding}

def reference(inputs, embedding):
    # Faithful to flax.linen.Embed.__call__: jnp.take along axis 0
    return jnp.take(embedding, inputs, axis=0)

if __name__ == "__main__":
    import jax
    _d = setup_inputs()
    print(jax.jit(kernel)(*tuple(_d.values())))

</pallas_src>

<mosaic_0001>
#map = affine_map<(d0, d1) -> (0, 0)>
#map1 = affine_map<(d0, d1) -> (0)>
module attributes {stable_mosaic.version = 14 : i64} {
  func.func @_gather(%arg0: i32, %arg1: i32, %arg2: memref<1000000x128xf32, #tpu.memory_space<hbm>>, %arg3: memref<524288xi32, #tpu.memory_space<hbm>>, %arg4: memref<229376x128xf32, #tpu.memory_space<hbm>>, %arg5: memref<!tpu.dma_semaphore, #tpu.memory_space<semaphore_mem>>) attributes {dimension_semantics = [#tpu.dimension_semantics<core_parallel>, #tpu.dimension_semantics<subcore_parallel>], iteration_bounds = array<i64: 2, 16>, scalar_prefetch = 0 : i64, scratch_operands = 1 : i64, tpu.core_type = #tpu.core_type<sc_vector_subcore>, window_params = [{transform_indices = #map}, {transform_indices = #map1}, {transform_indices = #map}]} {
    %mul3A = arith.constant 1 : i32
    %mul3A_0 = arith.muli %arg1, %mul3A : i32
    %add3A = arith.constant 0 : i32
    %add3A_1 = arith.addi %add3A, %mul3A_0 : i32
    %mul3A_2 = arith.constant 16 : i32
    %mul3A_3 = arith.muli %arg0, %mul3A_2 : i32
    %add3A_4 = arith.addi %add3A_1, %mul3A_3 : i32
    %mul3A_5 = arith.constant 16 : i32
    %mul3A_6 = arith.muli %add3A_4, %mul3A_5 : i32
    "tpu.region"() ({
      %run_scoped3A = memref.alloca() : memref<2048xi32, #tpu.memory_space<vmem>>
      %run_scoped3A_7 = tpu.sem_alloc : memref<2x!tpu.dma_semaphore, #tpu.memory_space<semaphore_mem>>
      %run_scoped3A_8 = memref.alloca() : memref<2x448x128xf32, #tpu.memory_space<vmem>>
      %run_scoped3A_9 = tpu.sem_alloc : memref<2x!tpu.dma_semaphore, #tpu.memory_space<semaphore_mem>>
      %add3A_10 = arith.constant 0 : i32
      %add3A_11 = arith.addi %add3A_10, %mul3A_6 : i32
      %select_n3A = arith.constant true
      %select_n3A_12 = arith.constant 0 : i32
      %select_n3A_13 = arith.constant -1 : i32
      %select_n3A_14 = arith.select %select_n3A, %select_n3A_13, %select_n3A_12 : i32
      %eq3A = arith.constant -1 : i32
      %eq3A_15 = arith.cmpi eq, %select_n3A_14, %eq3A : i32
      %select_n3A_16 = arith.constant 15 : i32
      %select_n3A_17 = arith.select %eq3A_15, %select_n3A_16, %select_n3A_14 : i32
      %add3A_18 = arith.addi %select_n3A_17, %mul3A_6 : i32
      %select_n3A_19 = arith.constant true
      %select_n3A_20 = arith.constant 0 : i32
      %select_n3A_21 = arith.constant 1 : i32
      %select_n3A_22 = arith.select %select_n3A_19, %select_n3A_21, %select_n3A_20 : i32
      %eq3A_23 = arith.constant 16 : i32
      %eq3A_24 = arith.cmpi eq, %select_n3A_22, %eq3A_23 : i32
      %select_n3A_25 = arith.constant 0 : i32
      %select_n3A_26 = arith.select %eq3A_24, %select_n3A_25, %select_n3A_22 : i32
      %add3A_27 = arith.addi %select_n3A_26, %mul3A_6 : i32
      %add3A_28 = arith.constant 1 : i32
      %add3A_29 = arith.addi %select_n3A_26, %add3A_28 : i32
      %select_n3A_30 = arith.constant true
      %select_n3A_31 = arith.select %select_n3A_30, %add3A_29, %select_n3A_26 : i32
      %eq3A_32 = arith.constant 16 : i32
      %eq3A_33 = arith.cmpi eq, %select_n3A_31, %eq3A_32 : i32
      %select_n3A_34 = arith.constant 0 : i32
      %select_n3A_35 = arith.select %eq3A_33, %select_n3A_34, %select_n3A_31 : i32
      %add3A_36 = arith.addi %select_n3A_35, %mul3A_6 : i32
      "tpu.trace_start"() <{level = 10 : i32, message = "ep_initialize_0"}> : () -> ()
      %rem3A = arith.constant 0 : i32
      %rem3A_37 = arith.constant 2 : i32
      %rem3A_38 = arith.remui %rem3A, %rem3A_37 : i32
      %mul3A_39 = arith.constant 1024 : i32
      %mul3A_40 = arith.muli %mul3A_39, %add3A_11 : i32
      %mul3A_41 = arith.constant 1024 : i32
      %mul3A_42 = arith.muli %rem3A_38, %mul3A_41 : i32
      %add3A_43 = arith.constant 0 : i32
      %add3A_44 = arith.addi %mul3A_42, %add3A_43 : i32
      %dma_start3A = tpu.memref_slice %run_scoped3A[%add3A_44] : memref<2048xi32, #tpu.memory_space<vmem>> -> memref<1024xi32, #tpu.memory_space<vmem>>
      %dma_start3A_45 = tpu.memref_slice %arg3[%mul3A_40] : memref<524288xi32, #tpu.memory_space<hbm>> -> memref<1024xi32, #tpu.memory_space<hbm>>
      %dma_start3A_46 = tpu.memref_slice %run_scoped3A_7[%rem3A_38] : memref<2x!tpu.dma_semaphore, #tpu.memory_space<semaphore_mem>> -> memref<1x!tpu.dma_semaphore, #tpu.memory_space<semaphore_mem>>
      %dma_start3A_47 = tpu.memref_squeeze %dma_start3A_46 : memref<1x!tpu.dma_semaphore, #tpu.memory_space<semaphore_mem>> -> memref<!tpu.dma_semaphore, #tpu.memory_space<semaphore_mem>>
      %dma_start3A_48 = tpu.memref_slice %run_scoped3A[%add3A_44] : memref<2048xi32, #tpu.memory_space<vmem>> -> memref<1024xi32, #tpu.memory_space<vmem>>
      %dma_start3A_49 = tpu.memref_slice %arg3[%mul3A_40] : memref<524288xi32, #tpu.memory_space<hbm>> -> memref<1024xi32, #tpu.memory_space<hbm>>
      tpu.enqueue_dma source(%dma_start3A_49 : memref<1024xi32, #tpu.memory_space<hbm>>) target(%dma_start3A_48 : memref<1024xi32, #tpu.memory_space<vmem>>) target_semaphore(%dma_start3A_47 : memref<!tpu.dma_semaphore, #tpu.memory_space<semaphore_mem>>)
      %add3A_50 = arith.constant 0 : i32
      %add3A_51 = arith.constant 1 : i32
      %add3A_52 = arith.addi %add3A_50, %add3A_51 : i32
      %select_n3A_53 = arith.constant true
      %select_n3A_54 = arith.constant 0 : i32
      %select_n3A_55 = arith.select %select_n3A_53, %add3A_52, %select_n3A_54 : i32
      "tpu.trace_stop"() : () -> ()
      %scan3A = arith.constant 0 : i32
      %scan3A_56 = arith.constant 0 : i32
      %scan3A_57 = arith.constant 0 : i32
      %scan3A_58 = arith.constant 0 : i32
      %scan3A_59 = arith.constant 0 : i32
      %scan3A_60 = arith.constant 16 : i32
      %scan3A_61 = arith.addi %scan3A_59, %scan3A_60 : i32
      %scan3A_62 = arith.constant 1 : i32
      %scan3A_63:5 = scf.for %scan3A_117 = %scan3A_59 to %scan3A_61 step %scan3A_62 iter_args(%scan3A_118 = %select_n3A_55, %scan3A_119 = %scan3A, %scan3A_120 = %scan3A_56, %scan3A_121 = %scan3A_57, %scan3A_122 = %scan3A_58) -> (i32, i32, i32, i32, i32)  : i32 {
        %eq3A_123 = arith.constant 0 : i32
        %eq3A_124 = arith.cmpi eq, %scan3A_117, %eq3A_123 : i32
        %eq3A_125 = arith.constant 15 : i32
        %eq3A_126 = arith.cmpi eq, %scan3A_117, %eq3A_125 : i32
        %add3A_127 = arith.addi %scan3A_122, %mul3A_6 : i32
        %sub3A_128 = arith.constant 1 : i32
        %sub3A_129 = arith.subi %scan3A_122, %sub3A_128 : i32
        %select_n3A_130 = arith.constant true
        %select_n3A_131 = arith.select %select_n3A_130, %sub3A_129, %scan3A_122 : i32
        %eq3A_132 = arith.constant -1 : i32
        %eq3A_133 = arith.cmpi eq, %select_n3A_131, %eq3A_132 : i32
        %select_n3A_134 = arith.constant 15 : i32
        %select_n3A_135 = arith.select %eq3A_133, %select_n3A_134, %select_n3A_131 : i32
        %add3A_136 = arith.addi %select_n3A_135, %mul3A_6 : i32
        %add3A_137 = arith.constant 1 : i32
        %add3A_138 = arith.addi %scan3A_122, %add3A_137 : i32
        %select_n3A_139 = arith.constant true
        %select_n3A_140 = arith.select %select_n3A_139, %add3A_138, %scan3A_122 : i32
        %eq3A_141 = arith.constant 16 : i32
        %eq3A_142 = arith.cmpi eq, %select_n3A_140, %eq3A_141 : i32
        %select_n3A_143 = arith.constant 0 : i32
        %select_n3A_144 = arith.select %eq3A_142, %select_n3A_143, %select_n3A_140 : i32
        %add3A_145 = arith.addi %select_n3A_144, %mul3A_6 : i32
        %add3A_146 = arith.constant 1 : i32
        %add3A_147 = arith.addi %select_n3A_144, %add3A_146 : i32
        %select_n3A_148 = arith.constant true
        %select_n3A_149 = arith.select %select_n3A_148, %add3A_147, %select_n3A_144 : i32
        %eq3A_150 = arith.constant 16 : i32
        %eq3A_151 = arith.cmpi eq, %select_n3A_149, %eq3A_150 : i32
        %select_n3A_152 = arith.constant 0 : i32
        %select_n3A_153 = arith.select %eq3A_151, %select_n3A_152, %select_n3A_149 : i32
        %add3A_154 = arith.addi %select_n3A_153, %mul3A_6 : i32
        %ne3A = arith.cmpi ne, %add3A_127, %add3A_145 : i32
        %or3A = arith.constant false
        %or3A_155 = arith.ori %or3A, %ne3A : i1
        %ge3A = arith.constant 15 : i32
        %ge3A_156 = arith.cmpi sge, %scan3A_117, %ge3A : i32
        %not3A = arith.constant true
        %not3A_157 = arith.xori %ge3A_156, %not3A : i1
        %and3A = arith.andi %or3A_155, %not3A_157 : i1
        %convert_element_type3A = arith.extui %and3A : i1 to i32
        %cond3A = arith.constant 0 : i32
        %cond3A_158 = arith.cmpi ne, %convert_element_type3A, %cond3A : i32
        scf.if %cond3A_158 {
          "tpu.trace_start"() <{level = 10 : i32, message = "ep_copy_in"}> : () -> ()
          %rem3A_469 = arith.constant 2 : i32
          %rem3A_470 = arith.remui %scan3A_118, %rem3A_469 : i32
          %mul3A_471 = arith.constant 1024 : i32
          %mul3A_472 = arith.muli %mul3A_471, %add3A_145 : i32
          %mul3A_473 = arith.constant 1024 : i32
          %mul3A_474 = arith.muli %rem3A_470, %mul3A_473 : i32
          %add3A_475 = arith.constant 0 : i32
          %add3A_476 = arith.addi %mul3A_474, %add3A_475 : i32
          %dma_start3A_477 = tpu.memref_slice %run_scoped3A[%add3A_476] : memref<2048xi32, #tpu.memory_space<vmem>> -> memref<1024xi32, #tpu.memory_space<vmem>>
          %dma_start3A_478 = tpu.memref_slice %arg3[%mul3A_472] : memref<524288xi32, #tpu.memory_space<hbm>> -> memref<1024xi32, #tpu.memory_space<hbm>>
          %dma_start3A_479 = tpu.memref_slice %run_scoped3A_7[%rem3A_470] : memref<2x!tpu.dma_semaphore, #tpu.memory_space<semaphore_mem>> -> memref<1x!tpu.dma_semaphore, #tpu.memory_space<semaphore_mem>>
          %dma_start3A_480 = tpu.memref_squeeze %dma_start3A_479 : memref<1x!tpu.dma_semaphore, #tpu.memory_space<semaphore_mem>> -> memref<!tpu.dma_semaphore, #tpu.memory_space<semaphore_mem>>
          %dma_start3A_481 = tpu.memref_slice %run_scoped3A[%add3A_476] : memref<2048xi32, #tpu.memory_space<vmem>> -> memref<1024xi32, #tpu.memory_space<vmem>>
          %dma_start3A_482 = tpu.memref_slice %arg3[%mul3A_472] : memref<524288xi32, #tpu.memory_space<hbm>> -> memref<1024xi32, #tpu.memory_space<hbm>>
          tpu.enqueue_dma source(%dma_start3A_482 : memref<1024xi32, #tpu.memory_space<hbm>>) target(%dma_start3A_481 : memref<1024xi32, #tpu.memory_space<vmem>>) target_semaphore(%dma_start3A_480 : memref<!tpu.dma_semaphore, #tpu.memory_space<semaphore_mem>>)
          "tpu.trace_stop"() : () -> ()
        } else {
        }
        %and3A_159 = arith.constant true
        %and3A_160 = arith.andi %and3A, %and3A_159 : i1
        %add3A_161 = arith.constant 1 : i32
        %add3A_162 = arith.addi %scan3A_118, %add3A_161 : i32
        %select_n3A_163 = arith.select %and3A_160, %add3A_162, %scan3A_118 : i32
        %ne3A_164 = arith.cmpi ne, %add3A_127, %add3A_145 : i32
        %or3A_165 = arith.constant false
        %or3A_166 = arith.ori %or3A_165, %ne3A_164 : i1
        %or3A_167 = arith.constant false
        %or3A_168 = arith.ori %or3A_166, %or3A_167 : i1
        %ge3A_169 = arith.constant 15 : i32
        %ge3A_170 = arith.cmpi sge, %scan3A_117, %ge3A_169 : i32
        %not3A_171 = arith.constant true
        %not3A_172 = arith.xori %ge3A_170, %not3A_171 : i1
        %and3A_173 = arith.andi %or3A_168, %not3A_172 : i1
        %ne3A_174 = arith.cmpi ne, %add3A_127, %add3A_136 : i32
        %or3A_175 = arith.constant false
        %or3A_176 = arith.ori %or3A_175, %ne3A_174 : i1
        %or3A_177 = arith.ori %or3A_176, %eq3A_124 : i1
        %convert_element_type3A_178 = arith.extui %or3A_177 : i1 to i32
        %cond3A_179 = arith.constant 0 : i32
        %cond3A_180 = arith.cmpi ne, %convert_element_type3A_178, %cond3A_179 : i32
        scf.if %cond3A_180 {
          "tpu.trace_start"() <{level = 10 : i32, message = "ep_wait_in"}> : () -> ()
          %mul3A_469 = arith.constant 1024 : i32
          %mul3A_470 = arith.muli %mul3A_469, %add3A_127 : i32
          %rem3A_471 = arith.constant 2 : i32
          %rem3A_472 = arith.remui %scan3A_119, %rem3A_471 : i32
          %mul3A_473 = arith.constant 1024 : i32
          %mul3A_474 = arith.muli %rem3A_472, %mul3A_473 : i32
          %add3A_475 = arith.constant 0 : i32
          %add3A_476 = arith.addi %mul3A_474, %add3A_475 : i32
          %dma_wait3A_477 = tpu.memref_slice %run_scoped3A[%add3A_476] : memref<2048xi32, #tpu.memory_space<vmem>> -> memref<1024xi32, #tpu.memory_space<vmem>>
          %dma_wait3A_478 = tpu.memref_slice %arg3[%mul3A_470] : memref<524288xi32, #tpu.memory_space<hbm>> -> memref<1024xi32, #tpu.memory_space<hbm>>
          %dma_wait3A_479 = tpu.memref_slice %run_scoped3A_7[%rem3A_472] : memref<2x!tpu.dma_semaphore, #tpu.memory_space<semaphore_mem>> -> memref<1x!tpu.dma_semaphore, #tpu.memory_space<semaphore_mem>>
          %dma_wait3A_480 = tpu.memref_squeeze %dma_wait3A_479 : memref<1x!tpu.dma_semaphore, #tpu.memory_space<semaphore_mem>> -> memref<!tpu.dma_semaphore, #tpu.memory_space<semaphore_mem>>
          %dma_wait3A_481 = tpu.memref_slice %run_scoped3A[%add3A_476] : memref<2048xi32, #tpu.memory_space<vmem>> -> memref<1024xi32, #tpu.memory_space<vmem>>
          %dma_wait3A_482 = tpu.memref_slice %arg3[%mul3A_470] : memref<524288xi32, #tpu.memory_space<hbm>> -> memref<1024xi32, #tpu.memory_space<hbm>>
          tpu.wait_dma2 semaphore(%dma_wait3A_480 : memref<!tpu.dma_semaphore, #tpu.memory_space<semaphore_mem>>) src(%dma_wait3A_482 : memref<1024xi32, #tpu.memory_space<hbm>>) dst(%dma_wait3A_481 : memref<1024xi32, #tpu.memory_space<vmem>>)
          "tpu.trace_stop"() : () -> ()
        } else {
        }
        %ne3A_181 = arith.cmpi ne, %add3A_127, %add3A_136 : i32
        %or3A_182 = arith.constant false
        %or3A_183 = arith.ori %or3A_182, %ne3A_181 : i1
        %or3A_184 = arith.constant false
        %or3A_185 = arith.ori %or3A_183, %or3A_184 : i1
        %or3A_186 = arith.ori %or3A_185, %eq3A_124 : i1
        %convert_element_type3A_187 = arith.extui %or3A_186 : i1 to i32
        %cond3A_188 = arith.constant 0 : i32
        %cond3A_189 = arith.cmpi ne, %convert_element_type3A_187, %cond3A_188 : i32
        scf.if %cond3A_189 {
        } else {
        }
        %rem3A_190 = arith.constant 2 : i32
        %rem3A_191 = arith.remui %scan3A_119, %rem3A_190 : i32
        %mul3A_192 = arith.constant 1024 : i32
        %mul3A_193 = arith.muli %rem3A_191, %mul3A_192 : i32
        %rem3A_194 = arith.constant 2 : i32
        %rem3A_195 = arith.remui %scan3A_120, %rem3A_194 : i32
        "tpu.trace_start"() <{level = 10 : i32, message = "ep_run_kernel"}> : () -> ()
        %dma_start3A_196 = arith.constant 0 : i32
        %dma_start3A_197 = arith.constant 0 : i32
        %dma_start3A_198 = tpu.memref_slice %run_scoped3A_8[%rem3A_195, %dma_start3A_196, %dma_start3A_197] : memref<2x448x128xf32, #tpu.memory_space<vmem>> -> memref<1x448x128xf32, #tpu.memory_space<vmem>>
        %dma_start3A_199 = tpu.memref_squeeze %dma_start3A_198 : memref<1x448x128xf32, #tpu.memory_space<vmem>> -> memref<448x128xf32, #tpu.memory_space<vmem>>
        %dma_start3A_200 = arith.constant 0 : i32
        %dma_start3A_201 = arith.constant 0 : i32
        %dma_start3A_202 = tpu.memref_slice %dma_start3A_199[%dma_start3A_200, %dma_start3A_201] : memref<448x128xf32, #tpu.memory_space<vmem>> -> memref<56x128xf32, #tpu.memory_space<vmem>>
        %dma_start3A_203 = tpu.memref_slice %run_scoped3A[%mul3A_193] : memref<2048xi32, #tpu.memory_space<vmem>> -> memref<1024xi32, #tpu.memory_space<vmem>>
        %dma_start3A_204 = arith.constant 0 : i32
        %dma_start3A_205 = tpu.memref_slice %dma_start3A_203[%dma_start3A_204] : memref<1024xi32, #tpu.memory_space<vmem>> -> memref<56xi32, #tpu.memory_space<vmem>>
        %dma_start3A_206 = arith.constant 0 : i32
        %dma_start3A_207 = arith.constant 0 : i32
        %dma_start3A_208 = tpu.memref_slice %arg2[%dma_start3A_206, %dma_start3A_207] : memref<1000000x128xf32, #tpu.memory_space<hbm>> -> memref<1000000x128xf32, #tpu.memory_space<hbm>>
        tpu.enqueue_indirect_dma source(%dma_start3A_208 : memref<1000000x128xf32, #tpu.memory_space<hbm>>) target(%dma_start3A_202 : memref<56x128xf32, #tpu.memory_space<vmem>>) offsets(%dma_start3A_205 : memref<56xi32, #tpu.memory_space<vmem>>) semaphore(%arg5 : memref<!tpu.dma_semaphore, #tpu.memory_space<semaphore_mem>>)
        %dma_start3A_209 = arith.constant 0 : i32
        %dma_start3A_210 = arith.constant 0 : i32
        %dma_start3A_211 = tpu.memref_slice %run_scoped3A_8[%rem3A_195, %dma_start3A_209, %dma_start3A_210] : memref<2x448x128xf32, #tpu.memory_space<vmem>> -> memref<1x448x128xf32, #tpu.memory_space<vmem>>
        %dma_start3A_212 = tpu.memref_squeeze %dma_start3A_211 : memref<1x448x128xf32, #tpu.memory_space<vmem>> -> memref<448x128xf32, #tpu.memory_space<vmem>>
        %dma_start3A_213 = arith.constant 56 : i32
        %dma_start3A_214 = arith.constant 0 : i32
        %dma_start3A_215 = tpu.memref_slice %dma_start3A_212[%dma_start3A_213, %dma_start3A_214] : memref<448x128xf32, #tpu.memory_space<vmem>> -> memref<56x128xf32, #tpu.memory_space<vmem>>
        %dma_start3A_216 = tpu.memref_slice %run_scoped3A[%mul3A_193] : memref<2048xi32, #tpu.memory_space<vmem>> -> memref<1024xi32, #tpu.memory_space<vmem>>
        %dma_start3A_217 = arith.constant 128 : i32
        %dma_start3A_218 = tpu.memref_slice %dma_start3A_216[%dma_start3A_217] : memref<1024xi32, #tpu.memory_space<vmem>> -> memref<56xi32, #tpu.memory_space<vmem>>
        %dma_start3A_219 = arith.constant 0 : i32
        %dma_start3A_220 = arith.constant 0 : i32
        %dma_start3A_221 = tpu.memref_slice %arg2[%dma_start3A_219, %dma_start3A_220] : memref<1000000x128xf32, #tpu.memory_space<hbm>> -> memref<1000000x128xf32, #tpu.memory_space<hbm>>
        tpu.enqueue_indirect_dma source(%dma_start3A_221 : memref<1000000x128xf32, #tpu.memory_space<hbm>>) target(%dma_start3A_215 : memref<56x128xf32, #tpu.memory_space<vmem>>) offsets(%dma_start3A_218 : memref<56xi32, #tpu.memory_space<vmem>>) semaphore(%arg5 : memref<!tpu.dma_semaphore, #tpu.memory_space<semaphore_mem>>)
        %dma_start3A_222 = arith.constant 0 : i32
        %dma_start3A_223 = arith.constant 0 : i32
        %dma_start3A_224 = tpu.memref_slice %run_scoped3A_8[%rem3A_195, %dma_start3A_222, %dma_start3A_223] : memref<2x448x128xf32, #tpu.memory_space<vmem>> -> memref<1x448x128xf32, #tpu.memory_space<vmem>>
        %dma_start3A_225 = tpu.memref_squeeze %dma_start3A_224 : memref<1x448x128xf32, #tpu.memory_space<vmem>> -> memref<448x128xf32, #tpu.memory_space<vmem>>
        %dma_start3A_226 = arith.constant 112 : i32
        %dma_start3A_227 = arith.constant 0 : i32
        %dma_start3A_228 = tpu.memref_slice %dma_start3A_225[%dma_start3A_226, %dma_start3A_227] : memref<448x128xf32, #tpu.memory_space<vmem>> -> memref<56x128xf32, #tpu.memory_space<vmem>>
        %dma_start3A_229 = tpu.memref_slice %run_scoped3A[%mul3A_193] : memref<2048xi32, #tpu.memory_space<vmem>> -> memref<1024xi32, #tpu.memory_space<vmem>>
        %dma_start3A_230 = arith.constant 256 : i32
        %dma_start3A_231 = tpu.memref_slice %dma_start3A_229[%dma_start3A_230] : memref<1024xi32, #tpu.memory_space<vmem>> -> memref<56xi32, #tpu.memory_space<vmem>>
        %dma_start3A_232 = arith.constant 0 : i32
        %dma_start3A_233 = arith.constant 0 : i32
        %dma_start3A_234 = tpu.memref_slice %arg2[%dma_start3A_232, %dma_start3A_233] : memref<1000000x128xf32, #tpu.memory_space<hbm>> -> memref<1000000x128xf32, #tpu.memory_space<hbm>>
        tpu.enqueue_indirect_dma source(%dma_start3A_234 : memref<1000000x128xf32, #tpu.memory_space<hbm>>) target(%dma_start3A_228 : memref<56x128xf32, #tpu.memory_space<vmem>>) offsets(%dma_start3A_231 : memref<56xi32, #tpu.memory_space<vmem>>) semaphore(%arg5 : memref<!tpu.dma_semaphore, #tpu.memory_space<semaphore_mem>>)
        %dma_start3A_235 = arith.constant 0 : i32
        %dma_start3A_236 = arith.constant 0 : i32
        %dma_start3A_237 = tpu.memref_slice %run_scoped3A_8[%rem3A_195, %dma_start3A_235, %dma_start3A_236] : memref<2x448x128xf32, #tpu.memory_space<vmem>> -> memref<1x448x128xf32, #tpu.memory_space<vmem>>
        %dma_start3A_238 = tpu.memref_squeeze %dma_start3A_237 : memref<1x448x128xf32, #tpu.memory_space<vmem>> -> memref<448x128xf32, #tpu.memory_space<vmem>>
        %dma_start3A_239 = arith.constant 168 : i32
        %dma_start3A_240 = arith.constant 0 : i32
        %dma_start3A_241 = tpu.memref_slice %dma_start3A_238[%dma_start3A_239, %dma_start3A_240] : memref<448x128xf32, #tpu.memory_space<vmem>> -> memref<56x128xf32, #tpu.memory_space<vmem>>
        %dma_start3A_242 = tpu.memref_slice %run_scoped3A[%mul3A_193] : memref<2048xi32, #tpu.memory_space<vmem>> -> memref<1024xi32, #tpu.memory_space<vmem>>
        %dma_start3A_243 = arith.constant 384 : i32
        %dma_start3A_244 = tpu.memref_slice %dma_start3A_242[%dma_start3A_243] : memref<1024xi32, #tpu.memory_space<vmem>> -> memref<56xi32, #tpu.memory_space<vmem>>
        %dma_start3A_245 = arith.constant 0 : i32
        %dma_start3A_246 = arith.constant 0 : i32
        %dma_start3A_247 = tpu.memref_slice %arg2[%dma_start3A_245, %dma_start3A_246] : memref<1000000x128xf32, #tpu.memory_space<hbm>> -> memref<1000000x128xf32, #tpu.memory_space<hbm>>
        tpu.enqueue_indirect_dma source(%dma_start3A_247 : memref<1000000x128xf32, #tpu.memory_space<hbm>>) target(%dma_start3A_241 : memref<56x128xf32, #tpu.memory_space<vmem>>) offsets(%dma_start3A_244 : memref<56xi32, #tpu.memory_space<vmem>>) semaphore(%arg5 : memref<!tpu.dma_semaphore, #tpu.memory_space<semaphore_mem>>)
        %dma_start3A_248 = arith.constant 0 : i32
        %dma_start3A_249 = arith.constant 0 : i32
        %dma_start3A_250 = tpu.memref_slice %run_scoped3A_8[%rem3A_195, %dma_start3A_248, %dma_start3A_249] : memref<2x448x128xf32, #tpu.memory_space<vmem>> -> memref<1x448x128xf32, #tpu.memory_space<vmem>>
        %dma_start3A_251 = tpu.memref_squeeze %dma_start3A_250 : memref<1x448x128xf32, #tpu.memory_space<vmem>> -> memref<448x128xf32, #tpu.memory_space<vmem>>
        %dma_start3A_252 = arith.constant 224 : i32
        %dma_start3A_253 = arith.constant 0 : i32
        %dma_start3A_254 = tpu.memref_slice %dma_start3A_251[%dma_start3A_252, %dma_start3A_253] : memref<448x128xf32, #tpu.memory_space<vmem>> -> memref<56x128xf32, #tpu.memory_space<vmem>>
        %dma_start3A_255 = tpu.memref_slice %run_scoped3A[%mul3A_193] : memref<2048xi32, #tpu.memory_space<vmem>> -> memref<1024xi32, #tpu.memory_space<vmem>>
        %dma_start3A_256 = arith.constant 512 : i32
        %dma_start3A_257 = tpu.memref_slice %dma_start3A_255[%dma_start3A_256] : memref<1024xi32, #tpu.memory_space<vmem>> -> memref<56xi32, #tpu.memory_space<vmem>>
        %dma_start3A_258 = arith.constant 0 : i32
        %dma_start3A_259 = arith.constant 0 : i32
        %dma_start3A_260 = tpu.memref_slice %arg2[%dma_start3A_258, %dma_start3A_259] : memref<1000000x128xf32, #tpu.memory_space<hbm>> -> memref<1000000x128xf32, #tpu.memory_space<hbm>>
        tpu.enqueue_indirect_dma source(%dma_start3A_260 : memref<1000000x128xf32, #tpu.memory_space<hbm>>) target(%dma_start3A_254 : memref<56x128xf32, #tpu.memory_space<vmem>>) offsets(%dma_start3A_257 : memref<56xi32, #tpu.memory_space<vmem>>) semaphore(%arg5 : memref<!tpu.dma_semaphore, #tpu.memory_space<semaphore_mem>>)
        %dma_start3A_261 = arith.constant 0 : i32
        %dma_start3A_262 = arith.constant 0 : i32
        %dma_start3A_263 = tpu.memref_slice %run_scoped3A_8[%rem3A_195, %dma_start3A_261, %dma_start3A_262] : memref<2x448x128xf32, #tpu.memory_space<vmem>> -> memref<1x448x128xf32, #tpu.memory_space<vmem>>
        %dma_start3A_264 = tpu.memref_squeeze %dma_start3A_263 : memref<1x448x128xf32, #tpu.memory_space<vmem>> -> memref<448x128xf32, #tpu.memory_space<vmem>>
        %dma_start3A_265 = arith.constant 280 : i32
        %dma_start3A_266 = arith.constant 0 : i32
        %dma_start3A_267 = tpu.memref_slice %dma_start3A_264[%dma_start3A_265, %dma_start3A_266] : memref<448x128xf32, #tpu.memory_space<vmem>> -> memref<56x128xf32, #tpu.memory_space<vmem>>
        %dma_start3A_268 = tpu.memref_slice %run_scoped3A[%mul3A_193] : memref<2048xi32, #tpu.memory_space<vmem>> -> memref<1024xi32, #tpu.memory_space<vmem>>
        %dma_start3A_269 = arith.constant 640 : i32
        %dma_start3A_270 = tpu.memref_slice %dma_start3A_268[%dma_start3A_269] : memref<1024xi32, #tpu.memory_space<vmem>> -> memref<56xi32, #tpu.memory_space<vmem>>
        %dma_start3A_271 = arith.constant 0 : i32
        %dma_start3A_272 = arith.constant 0 : i32
        %dma_start3A_273 = tpu.memref_slice %arg2[%dma_start3A_271, %dma_start3A_272] : memref<1000000x128xf32, #tpu.memory_space<hbm>> -> memref<1000000x128xf32, #tpu.memory_space<hbm>>
        tpu.enqueue_indirect_dma source(%dma_start3A_273 : memref<1000000x128xf32, #tpu.memory_space<hbm>>) target(%dma_start3A_267 : memref<56x128xf32, #tpu.memory_space<vmem>>) offsets(%dma_start3A_270 : memref<56xi32, #tpu.memory_space<vmem>>) semaphore(%arg5 : memref<!tpu.dma_semaphore, #tpu.memory_space<semaphore_mem>>)
        %dma_start3A_274 = arith.constant 0 : i32
        %dma_start3A_275 = arith.constant 0 : i32
        %dma_start3A_276 = tpu.memref_slice %run_scoped3A_8[%rem3A_195, %dma_start3A_274, %dma_start3A_275] : memref<2x448x128xf32, #tpu.memory_space<vmem>> -> memref<1x448x128xf32, #tpu.memory_space<vmem>>
        %dma_start3A_277 = tpu.memref_squeeze %dma_start3A_276 : memref<1x448x128xf32, #tpu.memory_space<vmem>> -> memref<448x128xf32, #tpu.memory_space<vmem>>
        %dma_start3A_278 = arith.constant 336 : i32
        %dma_start3A_279 = arith.constant 0 : i32
        %dma_start3A_280 = tpu.memref_slice %dma_start3A_277[%dma_start3A_278, %dma_start3A_279] : memref<448x128xf32, #tpu.memory_space<vmem>> -> memref<56x128xf32, #tpu.memory_space<vmem>>
        %dma_start3A_281 = tpu.memref_slice %run_scoped3A[%mul3A_193] : memref<2048xi32, #tpu.memory_space<vmem>> -> memref<1024xi32, #tpu.memory_space<vmem>>
        %dma_start3A_282 = arith.constant 768 : i32
        %dma_start3A_283 = tpu.memref_slice %dma_start3A_281[%dma_start3A_282] : memref<1024xi32, #tpu.memory_space<vmem>> -> memref<56xi32, #tpu.memory_space<vmem>>
        %dma_start3A_284 = arith.constant 0 : i32
        %dma_start3A_285 = arith.constant 0 : i32
        %dma_start3A_286 = tpu.memref_slice %arg2[%dma_start3A_284, %dma_start3A_285] : memref<1000000x128xf32, #tpu.memory_space<hbm>> -> memref<1000000x128xf32, #tpu.memory_space<hbm>>
        tpu.enqueue_indirect_dma source(%dma_start3A_286 : memref<1000000x128xf32, #tpu.memory_space<hbm>>) target(%dma_start3A_280 : memref<56x128xf32, #tpu.memory_space<vmem>>) offsets(%dma_start3A_283 : memref<56xi32, #tpu.memory_space<vmem>>) semaphore(%arg5 : memref<!tpu.dma_semaphore, #tpu.memory_space<semaphore_mem>>)
        %dma_start3A_287 = arith.constant 0 : i32
        %dma_start3A_288 = arith.constant 0 : i32
        %dma_start3A_289 = tpu.memref_slice %run_scoped3A_8[%rem3A_195, %dma_start3A_287, %dma_start3A_288] : memref<2x448x128xf32, #tpu.memory_space<vmem>> -> memref<1x448x128xf32, #tpu.memory_space<vmem>>
        %dma_start3A_290 = tpu.memref_squeeze %dma_start3A_289 : memref<1x448x128xf32, #tpu.memory_space<vmem>> -> memref<448x128xf32, #tpu.memory_space<vmem>>
        %dma_start3A_291 = arith.constant 392 : i32
        %dma_start3A_292 = arith.constant 0 : i32
        %dma_start3A_293 = tpu.memref_slice %dma_start3A_290[%dma_start3A_291, %dma_start3A_292] : memref<448x128xf32, #tpu.memory_space<vmem>> -> memref<56x128xf32, #tpu.memory_space<vmem>>
        %dma_start3A_294 = tpu.memref_slice %run_scoped3A[%mul3A_193] : memref<2048xi32, #tpu.memory_space<vmem>> -> memref<1024xi32, #tpu.memory_space<vmem>>
        %dma_start3A_295 = arith.constant 896 : i32
        %dma_start3A_296 = tpu.memref_slice %dma_start3A_294[%dma_start3A_295] : memref<1024xi32, #tpu.memory_space<vmem>> -> memref<56xi32, #tpu.memory_space<vmem>>
        %dma_start3A_297 = arith.constant 0 : i32
        %dma_start3A_298 = arith.constant 0 : i32
        %dma_start3A_299 = tpu.memref_slice %arg2[%dma_start3A_297, %dma_start3A_298] : memref<1000000x128xf32, #tpu.memory_space<hbm>> -> memref<1000000x128xf32, #tpu.memory_space<hbm>>
        tpu.enqueue_indirect_dma source(%dma_start3A_299 : memref<1000000x128xf32, #tpu.memory_space<hbm>>) target(%dma_start3A_293 : memref<56x128xf32, #tpu.memory_space<vmem>>) offsets(%dma_start3A_296 : memref<56xi32, #tpu.memory_space<vmem>>) semaphore(%arg5 : memref<!tpu.dma_semaphore, #tpu.memory_space<semaphore_mem>>)
        %dma_wait3A_300 = arith.constant 0 : i32
        %dma_wait3A_301 = arith.constant 0 : i32
        %dma_wait3A_302 = tpu.memref_slice %run_scoped3A_8[%rem3A_195, %dma_wait3A_300, %dma_wait3A_301] : memref<2x448x128xf32, #tpu.memory_space<vmem>> -> memref<1x448x128xf32, #tpu.memory_space<vmem>>
        %dma_wait3A_303 = tpu.memref_squeeze %dma_wait3A_302 : memref<1x448x128xf32, #tpu.memory_space<vmem>> -> memref<448x128xf32, #tpu.memory_space<vmem>>
        %dma_wait3A_304 = arith.constant 0 : i32
        %dma_wait3A_305 = arith.constant 0 : i32
        %dma_wait3A_306 = tpu.memref_slice %dma_wait3A_303[%dma_wait3A_304, %dma_wait3A_305] : memref<448x128xf32, #tpu.memory_space<vmem>> -> memref<56x128xf32, #tpu.memory_space<vmem>>
        %dma_wait3A_307 = tpu.memref_slice %run_scoped3A[%mul3A_193] : memref<2048xi32, #tpu.memory_space<vmem>> -> memref<1024xi32, #tpu.memory_space<vmem>>
        %dma_wait3A_308 = arith.constant 0 : i32
        %dma_wait3A_309 = tpu.memref_slice %dma_wait3A_307[%dma_wait3A_308] : memref<1024xi32, #tpu.memory_space<vmem>> -> memref<56xi32, #tpu.memory_space<vmem>>
        %dma_wait3A_310 = arith.constant 0 : i32
        %dma_wait3A_311 = arith.constant 0 : i32
        %dma_wait3A_312 = tpu.memref_slice %arg2[%dma_wait3A_310, %dma_wait3A_311] : memref<1000000x128xf32, #tpu.memory_space<hbm>> -> memref<1000000x128xf32, #tpu.memory_space<hbm>>
        tpu.wait_indirect_dma semaphore(%arg5 : memref<!tpu.dma_semaphore, #tpu.memory_space<semaphore_mem>>) src(%dma_wait3A_312 : memref<1000000x128xf32, #tpu.memory_space<hbm>>) dst(%dma_wait3A_306 : memref<56x128xf32, #tpu.memory_space<vmem>>)
        %dma_wait3A_313 = arith.constant 0 : i32
        %dma_wait3A_314 = arith.constant 0 : i32
        %dma_wait3A_315 = tpu.memref_slice %run_scoped3A_8[%rem3A_195, %dma_wait3A_313, %dma_wait3A_314] : memref<2x448x128xf32, #tpu.memory_space<vmem>> -> memref<1x448x128xf32, #tpu.memory_space<vmem>>
        %dma_wait3A_316 = tpu.memref_squeeze %dma_wait3A_315 : memref<1x448x128xf32, #tpu.memory_space<vmem>> -> memref<448x128xf32, #tpu.memory_space<vmem>>
        %dma_wait3A_317 = arith.constant 56 : i32
        %dma_wait3A_318 = arith.constant 0 : i32
        %dma_wait3A_319 = tpu.memref_slice %dma_wait3A_316[%dma_wait3A_317, %dma_wait3A_318] : memref<448x128xf32, #tpu.memory_space<vmem>> -> memref<56x128xf32, #tpu.memory_space<vmem>>
        %dma_wait3A_320 = tpu.memref_slice %run_scoped3A[%mul3A_193] : memref<2048xi32, #tpu.memory_space<vmem>> -> memref<1024xi32, #tpu.memory_space<vmem>>
        %dma_wait3A_321 = arith.constant 128 : i32
        %dma_wait3A_322 = tpu.memref_slice %dma_wait3A_320[%dma_wait3A_321] : memref<1024xi32, #tpu.memory_space<vmem>> -> memref<56xi32, #tpu.memory_space<vmem>>
        %dma_wait3A_323 = arith.constant 0 : i32
        %dma_wait3A_324 = arith.constant 0 : i32
        %dma_wait3A_325 = tpu.memref_slice %arg2[%dma_wait3A_323, %dma_wait3A_324] : memref<1000000x128xf32, #tpu.memory_space<hbm>> -> memref<1000000x128xf32, #tpu.memory_space<hbm>>
        tpu.wait_indirect_dma semaphore(%arg5 : memref<!tpu.dma_semaphore, #tpu.memory_space<semaphore_mem>>) src(%dma_wait3A_325 : memref<1000000x128xf32, #tpu.memory_space<hbm>>) dst(%dma_wait3A_319 : memref<56x128xf32, #tpu.memory_space<vmem>>)
        %dma_wait3A_326 = arith.constant 0 : i32
        %dma_wait3A_327 = arith.constant 0 : i32
        %dma_wait3A_328 = tpu.memref_slice %run_scoped3A_8[%rem3A_195, %dma_wait3A_326, %dma_wait3A_327] : memref<2x448x128xf32, #tpu.memory_space<vmem>> -> memref<1x448x128xf32, #tpu.memory_space<vmem>>
        %dma_wait3A_329 = tpu.memref_squeeze %dma_wait3A_328 : memref<1x448x128xf32, #tpu.memory_space<vmem>> -> memref<448x128xf32, #tpu.memory_space<vmem>>
        %dma_wait3A_330 = arith.constant 112 : i32
        %dma_wait3A_331 = arith.constant 0 : i32
        %dma_wait3A_332 = tpu.memref_slice %dma_wait3A_329[%dma_wait3A_330, %dma_wait3A_331] : memref<448x128xf32, #tpu.memory_space<vmem>> -> memref<56x128xf32, #tpu.memory_space<vmem>>
        %dma_wait3A_333 = tpu.memref_slice %run_scoped3A[%mul3A_193] : memref<2048xi32, #tpu.memory_space<vmem>> -> memref<1024xi32, #tpu.memory_space<vmem>>
        %dma_wait3A_334 = arith.constant 256 : i32
        %dma_wait3A_335 = tpu.memref_slice %dma_wait3A_333[%dma_wait3A_334] : memref<1024xi32, #tpu.memory_space<vmem>> -> memref<56xi32, #tpu.memory_space<vmem>>
        %dma_wait3A_336 = arith.constant 0 : i32
        %dma_wait3A_337 = arith.constant 0 : i32
        %dma_wait3A_338 = tpu.memref_slice %arg2[%dma_wait3A_336, %dma_wait3A_337] : memref<1000000x128xf32, #tpu.memory_space<hbm>> -> memref<1000000x128xf32, #tpu.memory_space<hbm>>
        tpu.wait_indirect_dma semaphore(%arg5 : memref<!tpu.dma_semaphore, #tpu.memory_space<semaphore_mem>>) src(%dma_wait3A_338 : memref<1000000x128xf32, #tpu.memory_space<hbm>>) dst(%dma_wait3A_332 : memref<56x128xf32, #tpu.memory_space<vmem>>)
        %dma_wait3A_339 = arith.constant 0 : i32
        %dma_wait3A_340 = arith.constant 0 : i32
        %dma_wait3A_341 = tpu.memref_slice %run_scoped3A_8[%rem3A_195, %dma_wait3A_339, %dma_wait3A_340] : memref<2x448x128xf32, #tpu.memory_space<vmem>> -> memref<1x448x128xf32, #tpu.memory_space<vmem>>
        %dma_wait3A_342 = tpu.memref_squeeze %dma_wait3A_341 : memref<1x448x128xf32, #tpu.memory_space<vmem>> -> memref<448x128xf32, #tpu.memory_space<vmem>>
        %dma_wait3A_343 = arith.constant 168 : i32
        %dma_wait3A_344 = arith.constant 0 : i32
        %dma_wait3A_345 = tpu.memref_slice %dma_wait3A_342[%dma_wait3A_343, %dma_wait3A_344] : memref<448x128xf32, #tpu.memory_space<vmem>> -> memref<56x128xf32, #tpu.memory_space<vmem>>
        %dma_wait3A_346 = tpu.memref_slice %run_scoped3A[%mul3A_193] : memref<2048xi32, #tpu.memory_space<vmem>> -> memref<1024xi32, #tpu.memory_space<vmem>>
        %dma_wait3A_347 = arith.constant 384 : i32
        %dma_wait3A_348 = tpu.memref_slice %dma_wait3A_346[%dma_wait3A_347] : memref<1024xi32, #tpu.memory_space<vmem>> -> memref<56xi32, #tpu.memory_space<vmem>>
        %dma_wait3A_349 = arith.constant 0 : i32
        %dma_wait3A_350 = arith.constant 0 : i32
        %dma_wait3A_351 = tpu.memref_slice %arg2[%dma_wait3A_349, %dma_wait3A_350] : memref<1000000x128xf32, #tpu.memory_space<hbm>> -> memref<1000000x128xf32, #tpu.memory_space<hbm>>
        tpu.wait_indirect_dma semaphore(%arg5 : memref<!tpu.dma_semaphore, #tpu.memory_space<semaphore_mem>>) src(%dma_wait3A_351 : memref<1000000x128xf32, #tpu.memory_space<hbm>>) dst(%dma_wait3A_345 : memref<56x128xf32, #tpu.memory_space<vmem>>)
        %dma_wait3A_352 = arith.constant 0 : i32
        %dma_wait3A_353 = arith.constant 0 : i32
        %dma_wait3A_354 = tpu.memref_slice %run_scoped3A_8[%rem3A_195, %dma_wait3A_352, %dma_wait3A_353] : memref<2x448x128xf32, #tpu.memory_space<vmem>> -> memref<1x448x128xf32, #tpu.memory_space<vmem>>
        %dma_wait3A_355 = tpu.memref_squeeze %dma_wait3A_354 : memref<1x448x128xf32, #tpu.memory_space<vmem>> -> memref<448x128xf32, #tpu.memory_space<vmem>>
        %dma_wait3A_356 = arith.constant 224 : i32
        %dma_wait3A_357 = arith.constant 0 : i32
        %dma_wait3A_358 = tpu.memref_slice %dma_wait3A_355[%dma_wait3A_356, %dma_wait3A_357] : memref<448x128xf32, #tpu.memory_space<vmem>> -> memref<56x128xf32, #tpu.memory_space<vmem>>
        %dma_wait3A_359 = tpu.memref_slice %run_scoped3A[%mul3A_193] : memref<2048xi32, #tpu.memory_space<vmem>> -> memref<1024xi32, #tpu.memory_space<vmem>>
        %dma_wait3A_360 = arith.constant 512 : i32
        %dma_wait3A_361 = tpu.memref_slice %dma_wait3A_359[%dma_wait3A_360] : memref<1024xi32, #tpu.memory_space<vmem>> -> memref<56xi32, #tpu.memory_space<vmem>>
        %dma_wait3A_362 = arith.constant 0 : i32
        %dma_wait3A_363 = arith.constant 0 : i32
        %dma_wait3A_364 = tpu.memref_slice %arg2[%dma_wait3A_362, %dma_wait3A_363] : memref<1000000x128xf32, #tpu.memory_space<hbm>> -> memref<1000000x128xf32, #tpu.memory_space<hbm>>
        tpu.wait_indirect_dma semaphore(%arg5 : memref<!tpu.dma_semaphore, #tpu.memory_space<semaphore_mem>>) src(%dma_wait3A_364 : memref<1000000x128xf32, #tpu.memory_space<hbm>>) dst(%dma_wait3A_358 : memref<56x128xf32, #tpu.memory_space<vmem>>)
        %dma_wait3A_365 = arith.constant 0 : i32
        %dma_wait3A_366 = arith.constant 0 : i32
        %dma_wait3A_367 = tpu.memref_slice %run_scoped3A_8[%rem3A_195, %dma_wait3A_365, %dma_wait3A_366] : memref<2x448x128xf32, #tpu.memory_space<vmem>> -> memref<1x448x128xf32, #tpu.memory_space<vmem>>
        %dma_wait3A_368 = tpu.memref_squeeze %dma_wait3A_367 : memref<1x448x128xf32, #tpu.memory_space<vmem>> -> memref<448x128xf32, #tpu.memory_space<vmem>>
        %dma_wait3A_369 = arith.constant 280 : i32
        %dma_wait3A_370 = arith.constant 0 : i32
        %dma_wait3A_371 = tpu.memref_slice %dma_wait3A_368[%dma_wait3A_369, %dma_wait3A_370] : memref<448x128xf32, #tpu.memory_space<vmem>> -> memref<56x128xf32, #tpu.memory_space<vmem>>
        %dma_wait3A_372 = tpu.memref_slice %run_scoped3A[%mul3A_193] : memref<2048xi32, #tpu.memory_space<vmem>> -> memref<1024xi32, #tpu.memory_space<vmem>>
        %dma_wait3A_373 = arith.constant 640 : i32
        %dma_wait3A_374 = tpu.memref_slice %dma_wait3A_372[%dma_wait3A_373] : memref<1024xi32, #tpu.memory_space<vmem>> -> memref<56xi32, #tpu.memory_space<vmem>>
        %dma_wait3A_375 = arith.constant 0 : i32
        %dma_wait3A_376 = arith.constant 0 : i32
        %dma_wait3A_377 = tpu.memref_slice %arg2[%dma_wait3A_375, %dma_wait3A_376] : memref<1000000x128xf32, #tpu.memory_space<hbm>> -> memref<1000000x128xf32, #tpu.memory_space<hbm>>
        tpu.wait_indirect_dma semaphore(%arg5 : memref<!tpu.dma_semaphore, #tpu.memory_space<semaphore_mem>>) src(%dma_wait3A_377 : memref<1000000x128xf32, #tpu.memory_space<hbm>>) dst(%dma_wait3A_371 : memref<56x128xf32, #tpu.memory_space<vmem>>)
        %dma_wait3A_378 = arith.constant 0 : i32
        %dma_wait3A_379 = arith.constant 0 : i32
        %dma_wait3A_380 = tpu.memref_slice %run_scoped3A_8[%rem3A_195, %dma_wait3A_378, %dma_wait3A_379] : memref<2x448x128xf32, #tpu.memory_space<vmem>> -> memref<1x448x128xf32, #tpu.memory_space<vmem>>
        %dma_wait3A_381 = tpu.memref_squeeze %dma_wait3A_380 : memref<1x448x128xf32, #tpu.memory_space<vmem>> -> memref<448x128xf32, #tpu.memory_space<vmem>>
        %dma_wait3A_382 = arith.constant 336 : i32
        %dma_wait3A_383 = arith.constant 0 : i32
        %dma_wait3A_384 = tpu.memref_slice %dma_wait3A_381[%dma_wait3A_382, %dma_wait3A_383] : memref<448x128xf32, #tpu.memory_space<vmem>> -> memref<56x128xf32, #tpu.memory_space<vmem>>
        %dma_wait3A_385 = tpu.memref_slice %run_scoped3A[%mul3A_193] : memref<2048xi32, #tpu.memory_space<vmem>> -> memref<1024xi32, #tpu.memory_space<vmem>>
        %dma_wait3A_386 = arith.constant 768 : i32
        %dma_wait3A_387 = tpu.memref_slice %dma_wait3A_385[%dma_wait3A_386] : memref<1024xi32, #tpu.memory_space<vmem>> -> memref<56xi32, #tpu.memory_space<vmem>>
        %dma_wait3A_388 = arith.constant 0 : i32
        %dma_wait3A_389 = arith.constant 0 : i32
        %dma_wait3A_390 = tpu.memref_slice %arg2[%dma_wait3A_388, %dma_wait3A_389] : memref<1000000x128xf32, #tpu.memory_space<hbm>> -> memref<1000000x128xf32, #tpu.memory_space<hbm>>
        tpu.wait_indirect_dma semaphore(%arg5 : memref<!tpu.dma_semaphore, #tpu.memory_space<semaphore_mem>>) src(%dma_wait3A_390 : memref<1000000x128xf32, #tpu.memory_space<hbm>>) dst(%dma_wait3A_384 : memref<56x128xf32, #tpu.memory_space<vmem>>)
        %dma_wait3A_391 = arith.constant 0 : i32
        %dma_wait3A_392 = arith.constant 0 : i32
        %dma_wait3A_393 = tpu.memref_slice %run_scoped3A_8[%rem3A_195, %dma_wait3A_391, %dma_wait3A_392] : memref<2x448x128xf32, #tpu.memory_space<vmem>> -> memref<1x448x128xf32, #tpu.memory_space<vmem>>
        %dma_wait3A_394 = tpu.memref_squeeze %dma_wait3A_393 : memref<1x448x128xf32, #tpu.memory_space<vmem>> -> memref<448x128xf32, #tpu.memory_space<vmem>>
        %dma_wait3A_395 = arith.constant 392 : i32
        %dma_wait3A_396 = arith.constant 0 : i32
        %dma_wait3A_397 = tpu.memref_slice %dma_wait3A_394[%dma_wait3A_395, %dma_wait3A_396] : memref<448x128xf32, #tpu.memory_space<vmem>> -> memref<56x128xf32, #tpu.memory_space<vmem>>
        %dma_wait3A_398 = tpu.memref_slice %run_scoped3A[%mul3A_193] : memref<2048xi32, #tpu.memory_space<vmem>> -> memref<1024xi32, #tpu.memory_space<vmem>>
        %dma_wait3A_399 = arith.constant 896 : i32
        %dma_wait3A_400 = tpu.memref_slice %dma_wait3A_398[%dma_wait3A_399] : memref<1024xi32, #tpu.memory_space<vmem>> -> memref<56xi32, #tpu.memory_space<vmem>>
        %dma_wait3A_401 = arith.constant 0 : i32
        %dma_wait3A_402 = arith.constant 0 : i32
        %dma_wait3A_403 = tpu.memref_slice %arg2[%dma_wait3A_401, %dma_wait3A_402] : memref<1000000x128xf32, #tpu.memory_space<hbm>> -> memref<1000000x128xf32, #tpu.memory_space<hbm>>
        tpu.wait_indirect_dma semaphore(%arg5 : memref<!tpu.dma_semaphore, #tpu.memory_space<semaphore_mem>>) src(%dma_wait3A_403 : memref<1000000x128xf32, #tpu.memory_space<hbm>>) dst(%dma_wait3A_397 : memref<56x128xf32, #tpu.memory_space<vmem>>)
        "tpu.trace_stop"() : () -> ()
        %ne3A_404 = arith.cmpi ne, %add3A_127, %add3A_145 : i32
        %or3A_405 = arith.constant false
        %or3A_406 = arith.ori %or3A_405, %ne3A_404 : i1
        %or3A_407 = arith.ori %or3A_406, %eq3A_126 : i1
        %convert_element_type3A_408 = arith.extui %or3A_407 : i1 to i32
        %cond3A_409 = arith.constant 0 : i32
        %cond3A_410 = arith.cmpi ne, %convert_element_type3A_408, %cond3A_409 : i32
        scf.if %cond3A_410 {
        } else {
        }
        %and3A_411 = arith.constant false
        %and3A_412 = arith.andi %or3A_407, %and3A_411 : i1
        %ne3A_413 = arith.cmpi ne, %add3A_127, %add3A_145 : i32
        %or3A_414 = arith.constant false
        %or3A_415 = arith.ori %or3A_414, %ne3A_413 : i1
        %or3A_416 = arith.constant false
        %or3A_417 = arith.ori %or3A_415, %or3A_416 : i1
        %or3A_418 = arith.ori %or3A_417, %eq3A_126 : i1
        %convert_element_type3A_419 = arith.extui %or3A_418 : i1 to i32
        %cond3A_420 = arith.constant 0 : i32
        %cond3A_421 = arith.cmpi ne, %convert_element_type3A_419, %cond3A_420 : i32
        scf.if %cond3A_421 {
          "tpu.trace_start"() <{level = 10 : i32, message = "ep_copy_out"}> : () -> ()
          %rem3A_469 = arith.constant 2 : i32
          %rem3A_470 = arith.remui %scan3A_120, %rem3A_469 : i32
          %mul3A_471 = arith.constant 448 : i32
          %mul3A_472 = arith.muli %mul3A_471, %add3A_127 : i32
          %dma_start3A_473 = arith.constant 0 : i32
          %dma_start3A_474 = arith.constant 0 : i32
          %dma_start3A_475 = tpu.memref_slice %run_scoped3A_8[%rem3A_470, %dma_start3A_473, %dma_start3A_474] : memref<2x448x128xf32, #tpu.memory_space<vmem>> -> memref<1x448x128xf32, #tpu.memory_space<vmem>>
          %dma_start3A_476 = tpu.memref_squeeze %dma_start3A_475 : memref<1x448x128xf32, #tpu.memory_space<vmem>> -> memref<448x128xf32, #tpu.memory_space<vmem>>
          %dma_start3A_477 = arith.constant 0 : i32
          %dma_start3A_478 = tpu.memref_slice %arg4[%mul3A_472, %dma_start3A_477] : memref<229376x128xf32, #tpu.memory_space<hbm>> -> memref<448x128xf32, #tpu.memory_space<hbm>>
          %dma_start3A_479 = tpu.memref_slice %run_scoped3A_9[%rem3A_470] : memref<2x!tpu.dma_semaphore, #tpu.memory_space<semaphore_mem>> -> memref<1x!tpu.dma_semaphore, #tpu.memory_space<semaphore_mem>>
          %dma_start3A_480 = tpu.memref_squeeze %dma_start3A_479 : memref<1x!tpu.dma_semaphore, #tpu.memory_space<semaphore_mem>> -> memref<!tpu.dma_semaphore, #tpu.memory_space<semaphore_mem>>
          %dma_start3A_481 = arith.constant 0 : i32
          %dma_start3A_482 = tpu.memref_slice %arg4[%mul3A_472, %dma_start3A_481] : memref<229376x128xf32, #tpu.memory_space<hbm>> -> memref<448x128xf32, #tpu.memory_space<hbm>>
          %dma_start3A_483 = arith.constant 0 : i32
          %dma_start3A_484 = arith.constant 0 : i32
          %dma_start3A_485 = tpu.memref_slice %run_scoped3A_8[%rem3A_470, %dma_start3A_483, %dma_start3A_484] : memref<2x448x128xf32, #tpu.memory_space<vmem>> -> memref<1x448x128xf32, #tpu.memory_space<vmem>>
          %dma_start3A_486 = tpu.memref_squeeze %dma_start3A_485 : memref<1x448x128xf32, #tpu.memory_space<vmem>> -> memref<448x128xf32, #tpu.memory_space<vmem>>
          tpu.enqueue_dma source(%dma_start3A_486 : memref<448x128xf32, #tpu.memory_space<vmem>>) target(%dma_start3A_482 : memref<448x128xf32, #tpu.memory_space<hbm>>) target_semaphore(%dma_start3A_480 : memref<!tpu.dma_semaphore, #tpu.memory_space<semaphore_mem>>)
          "tpu.trace_stop"() : () -> ()
        } else {
        }
        %and3A_422 = arith.constant true
        %and3A_423 = arith.andi %or3A_418, %and3A_422 : i1
        %add3A_424 = arith.constant 1 : i32
        %add3A_425 = arith.addi %scan3A_120, %add3A_424 : i32
        %select_n3A_426 = arith.select %and3A_423, %add3A_425, %scan3A_120 : i32
        %ne3A_427 = arith.cmpi ne, %add3A_127, %add3A_136 : i32
        %or3A_428 = arith.constant false
        %or3A_429 = arith.ori %or3A_428, %ne3A_427 : i1
        %not3A_430 = arith.constant true
        %not3A_431 = arith.xori %eq3A_124, %not3A_430 : i1
        %and3A_432 = arith.andi %or3A_429, %not3A_431 : i1
        %convert_element_type3A_433 = arith.extui %and3A_432 : i1 to i32
        %cond3A_434 = arith.constant 0 : i32
        %cond3A_435 = arith.cmpi ne, %convert_element_type3A_433, %cond3A_434 : i32
        scf.if %cond3A_435 {
        } else {
        }
        %and3A_436 = arith.constant false
        %and3A_437 = arith.andi %and3A_432, %and3A_436 : i1
        %ne3A_438 = arith.cmpi ne, %add3A_127, %add3A_136 : i32
        %or3A_439 = arith.constant false
        %or3A_440 = arith.ori %or3A_439, %ne3A_438 : i1
        %or3A_441 = arith.constant false
        %or3A_442 = arith.ori %or3A_440, %or3A_441 : i1
        %not3A_443 = arith.constant true
        %not3A_444 = arith.xori %eq3A_124, %not3A_443 : i1
        %and3A_445 = arith.andi %or3A_442, %not3A_444 : i1
        %convert_element_type3A_446 = arith.extui %and3A_445 : i1 to i32
        %cond3A_447 = arith.constant 0 : i32
        %cond3A_448 = arith.cmpi ne, %convert_element_type3A_446, %cond3A_447 : i32
        scf.if %cond3A_448 {
          "tpu.trace_start"() <{level = 10 : i32, message = "ep_wait_out"}> : () -> ()
          %rem3A_469 = arith.constant 2 : i32
          %rem3A_470 = arith.remui %scan3A_121, %rem3A_469 : i32
          %mul3A_471 = arith.constant 448 : i32
          %mul3A_472 = arith.muli %mul3A_471, %add3A_136 : i32
          %dma_wait3A_473 = arith.constant 0 : i32
          %dma_wait3A_474 = arith.constant 0 : i32
          %dma_wait3A_475 = tpu.memref_slice %run_scoped3A_8[%rem3A_470, %dma_wait3A_473, %dma_wait3A_474] : memref<2x448x128xf32, #tpu.memory_space<vmem>> -> memref<1x448x128xf32, #tpu.memory_space<vmem>>
          %dma_wait3A_476 = tpu.memref_squeeze %dma_wait3A_475 : memref<1x448x128xf32, #tpu.memory_space<vmem>> -> memref<448x128xf32, #tpu.memory_space<vmem>>
          %dma_wait3A_477 = arith.constant 0 : i32
          %dma_wait3A_478 = tpu.memref_slice %arg4[%mul3A_472, %dma_wait3A_477] : memref<229376x128xf32, #tpu.memory_space<hbm>> -> memref<448x128xf32, #tpu.memory_space<hbm>>
          %dma_wait3A_479 = tpu.memref_slice %run_scoped3A_9[%rem3A_470] : memref<2x!tpu.dma_semaphore, #tpu.memory_space<semaphore_mem>> -> memref<1x!tpu.dma_semaphore, #tpu.memory_space<semaphore_mem>>
          %dma_wait3A_480 = tpu.memref_squeeze %dma_wait3A_479 : memref<1x!tpu.dma_semaphore, #tpu.memory_space<semaphore_mem>> -> memref<!tpu.dma_semaphore, #tpu.memory_space<semaphore_mem>>
          %dma_wait3A_481 = arith.constant 0 : i32
          %dma_wait3A_482 = tpu.memref_slice %arg4[%mul3A_472, %dma_wait3A_481] : memref<229376x128xf32, #tpu.memory_space<hbm>> -> memref<448x128xf32, #tpu.memory_space<hbm>>
          %dma_wait3A_483 = arith.constant 0 : i32
          %dma_wait3A_484 = arith.constant 0 : i32
          %dma_wait3A_485 = tpu.memref_slice %run_scoped3A_8[%rem3A_470, %dma_wait3A_483, %dma_wait3A_484] : memref<2x448x128xf32, #tpu.memory_space<vmem>> -> memref<1x448x128xf32, #tpu.memory_space<vmem>>
          %dma_wait3A_486 = tpu.memref_squeeze %dma_wait3A_485 : memref<1x448x128xf32, #tpu.memory_space<vmem>> -> memref<448x128xf32, #tpu.memory_space<vmem>>
          tpu.wait_dma2 semaphore(%dma_wait3A_480 : memref<!tpu.dma_semaphore, #tpu.memory_space<semaphore_mem>>) src(%dma_wait3A_486 : memref<448x128xf32, #tpu.memory_space<vmem>>) dst(%dma_wait3A_482 : memref<448x128xf32, #tpu.memory_space<hbm>>)
          "tpu.trace_stop"() : () -> ()
        } else {
        }
        %and3A_449 = arith.constant true
        %and3A_450 = arith.andi %and3A_445, %and3A_449 : i1
        %add3A_451 = arith.constant 1 : i32
        %add3A_452 = arith.addi %scan3A_121, %add3A_451 : i32
        %select_n3A_453 = arith.select %and3A_450, %add3A_452, %scan3A_121 : i32
        %ne3A_454 = arith.cmpi ne, %add3A_127, %add3A_145 : i32
        %or3A_455 = arith.constant false
        %or3A_456 = arith.ori %or3A_455, %ne3A_454 : i1
        %or3A_457 = arith.ori %or3A_456, %eq3A_126 : i1
        %add3A_458 = arith.constant 1 : i32
        %add3A_459 = arith.addi %scan3A_119, %add3A_458 : i32
        %select_n3A_460 = arith.select %or3A_457, %add3A_459, %scan3A_119 : i32
        %add3A_461 = arith.constant 1 : i32
        %add3A_462 = arith.addi %scan3A_122, %add3A_461 : i32
        %select_n3A_463 = arith.constant true
        %select_n3A_464 = arith.select %select_n3A_463, %add3A_462, %scan3A_122 : i32
        %eq3A_465 = arith.constant 16 : i32
        %eq3A_466 = arith.cmpi eq, %select_n3A_464, %eq3A_465 : i32
        %select_n3A_467 = arith.constant 0 : i32
        %select_n3A_468 = arith.select %eq3A_466, %select_n3A_467, %select_n3A_464 : i32
        scf.yield %select_n3A_163, %select_n3A_460, %select_n3A_426, %select_n3A_453, %select_n3A_468 : i32, i32, i32, i32, i32
      }
      %scan3A_64 = arith.constant 16 : i32
      %sub3A = arith.constant 1 : i32
      %sub3A_65 = arith.subi %scan3A_63#4, %sub3A : i32
      %select_n3A_66 = arith.constant true
      %select_n3A_67 = arith.select %select_n3A_66, %sub3A_65, %scan3A_63#4 : i32
      %eq3A_68 = arith.constant -1 : i32
      %eq3A_69 = arith.cmpi eq, %select_n3A_67, %eq3A_68 : i32
      %select_n3A_70 = arith.constant 15 : i32
      %select_n3A_71 = arith.select %eq3A_69, %select_n3A_70, %select_n3A_67 : i32
      %add3A_72 = arith.addi %select_n3A_71, %mul3A_6 : i32
      %sub3A_73 = arith.constant 1 : i32
      %sub3A_74 = arith.subi %select_n3A_71, %sub3A_73 : i32
      %select_n3A_75 = arith.constant true
      %select_n3A_76 = arith.select %select_n3A_75, %sub3A_74, %select_n3A_71 : i32
      %eq3A_77 = arith.constant -1 : i32
      %eq3A_78 = arith.cmpi eq, %select_n3A_76, %eq3A_77 : i32
      %select_n3A_79 = arith.constant 15 : i32
      %select_n3A_80 = arith.select %eq3A_78, %select_n3A_79, %select_n3A_76 : i32
      %add3A_81 = arith.addi %select_n3A_80, %mul3A_6 : i32
      %add3A_82 = arith.constant 1 : i32
      %add3A_83 = arith.addi %select_n3A_71, %add3A_82 : i32
      %select_n3A_84 = arith.constant true
      %select_n3A_85 = arith.select %select_n3A_84, %add3A_83, %select_n3A_71 : i32
      %eq3A_86 = arith.constant 16 : i32
      %eq3A_87 = arith.cmpi eq, %select_n3A_85, %eq3A_86 : i32
      %select_n3A_88 = arith.constant 0 : i32
      %select_n3A_89 = arith.select %eq3A_87, %select_n3A_88, %select_n3A_85 : i32
      %add3A_90 = arith.addi %select_n3A_89, %mul3A_6 : i32
      %add3A_91 = arith.constant 1 : i32
      %add3A_92 = arith.addi %select_n3A_89, %add3A_91 : i32
      %select_n3A_93 = arith.constant true
      %select_n3A_94 = arith.select %select_n3A_93, %add3A_92, %select_n3A_89 : i32
      %eq3A_95 = arith.constant 16 : i32
      %eq3A_96 = arith.cmpi eq, %select_n3A_94, %eq3A_95 : i32
      %select_n3A_97 = arith.constant 0 : i32
      %select_n3A_98 = arith.select %eq3A_96, %select_n3A_97, %select_n3A_94 : i32
      %add3A_99 = arith.addi %select_n3A_98, %mul3A_6 : i32
      "tpu.trace_start"() <{level = 10 : i32, message = "ep_finalize"}> : () -> ()
      %rem3A_100 = arith.constant 2 : i32
      %rem3A_101 = arith.remui %scan3A_63#3, %rem3A_100 : i32
      %mul3A_102 = arith.constant 448 : i32
      %mul3A_103 = arith.muli %mul3A_102, %add3A_72 : i32
      %dma_wait3A = arith.constant 0 : i32
      %dma_wait3A_104 = arith.constant 0 : i32
      %dma_wait3A_105 = tpu.memref_slice %run_scoped3A_8[%rem3A_101, %dma_wait3A, %dma_wait3A_104] : memref<2x448x128xf32, #tpu.memory_space<vmem>> -> memref<1x448x128xf32, #tpu.memory_space<vmem>>
      %dma_wait3A_106 = tpu.memref_squeeze %dma_wait3A_105 : memref<1x448x128xf32, #tpu.memory_space<vmem>> -> memref<448x128xf32, #tpu.memory_space<vmem>>
      %dma_wait3A_107 = arith.constant 0 : i32
      %dma_wait3A_108 = tpu.memref_slice %arg4[%mul3A_103, %dma_wait3A_107] : memref<229376x128xf32, #tpu.memory_space<hbm>> -> memref<448x128xf32, #tpu.memory_space<hbm>>
      %dma_wait3A_109 = tpu.memref_slice %run_scoped3A_9[%rem3A_101] : memref<2x!tpu.dma_semaphore, #tpu.memory_space<semaphore_mem>> -> memref<1x!tpu.dma_semaphore, #tpu.memory_space<semaphore_mem>>
      %dma_wait3A_110 = tpu.memref_squeeze %dma_wait3A_109 : memref<1x!tpu.dma_semaphore, #tpu.memory_space<semaphore_mem>> -> memref<!tpu.dma_semaphore, #tpu.memory_space<semaphore_mem>>
      %dma_wait3A_111 = arith.constant 0 : i32
      %dma_wait3A_112 = tpu.memref_slice %arg4[%mul3A_103, %dma_wait3A_111] : memref<229376x128xf32, #tpu.memory_space<hbm>> -> memref<448x128xf32, #tpu.memory_space<hbm>>
      %dma_wait3A_113 = arith.constant 0 : i32
      %dma_wait3A_114 = arith.constant 0 : i32
      %dma_wait3A_115 = tpu.memref_slice %run_scoped3A_8[%rem3A_101, %dma_wait3A_113, %dma_wait3A_114] : memref<2x448x128xf32, #tpu.memory_space<vmem>> -> memref<1x448x128xf32, #tpu.memory_space<vmem>>
      %dma_wait3A_116 = tpu.memref_squeeze %dma_wait3A_115 : memref<1x448x128xf32, #tpu.memory_space<vmem>> -> memref<448x128xf32, #tpu.memory_space<vmem>>
      tpu.wait_dma2 semaphore(%dma_wait3A_110 : memref<!tpu.dma_semaphore, #tpu.memory_space<semaphore_mem>>) src(%dma_wait3A_116 : memref<448x128xf32, #tpu.memory_space<vmem>>) dst(%dma_wait3A_112 : memref<448x128xf32, #tpu.memory_space<hbm>>)
      "tpu.trace_stop"() : () -> ()
      tpu.yield
    }) : () -> ()
    return
  }
}

</mosaic_0001>

<sc_bundles>
// kernel: kernel.3.cloned.1.call-start
scs
__scs_entry_jumppad:
0x0: {  	(pc) =	sbr.rel $0x88, $3  }
0x1: {  	(tag) =	ssettag $0x0;
	lr =	simm.s32 $0x1  }
0x2: {  	[smem:$0x3F9F] =	sst lr;
	_ =	strace $0xD0000000  }
0x3: {  	_ = 	snop  }
0x4: {  	_ = 	snop  }
0x5: {  	_ = 	snop  }
0x6: {  	_ = 	snop  }
0x7: {  	_ = 	snop  }
__scs_overlays_trampoline_lowered:
0x8: {  	[smem:$0x3FAE] =	sst s0  }
0x9: {  	[smem:$0x3FAF] =	sst s1  }
0xa: {  	[smem:$0x3FB0] =	sst s2  }
0xb: {  	[smem:$0x3FB1] =	sst s3  }
0xc: {  	[smem:$0x3FB2] =	sst s4  }
0xd: {  	[smem:$0x3FB3] =	sst s5  }
0xe: {  	[smem:$0x3FB4] =	sst s6  }
0xf: {  	[smem:$0x3FB5] =	sst s7  }
0x10: {  	[smem:$0x3FB6] =	sst s8  }
0x11: {  	[smem:$0x3FB7] =	sst s9;
	s0 =	simm.s32 @!p0 $0x0  }
0x12: {  	s1 =	sld [smem:$0x3F9D];
	s0 =	simm.s32 @p0 $0x1  }
0x13: {  	[smem:$0x3FB8] =	sst s0;
	s0 =	simm.s32 @!p1 $0x0  }
0x14: {  	s2 =	sld [smem:$0x3F9C];
	s0 =	simm.s32 @p1 $0x1  }
0x15: {  	[smem:$0x3FB9] =	sst s0;
	s0 =	simm.s32 @!p2 $0x0  }
0x16: {  	s3 =	sld [smem:$0x3FDB];
	s0 =	simm.s32 @p2 $0x1  }
0x17: {  	s4 =	simm.s32 $0x1BF5;
	[smem:$0x3FBB] =	sst s0  }
0x18: {  	s0 =	sld [smem:$0x3F9E];
	_ =	swait.ge [sflag:s4], $0x0  }
0x19: {  	s7 =	sld [smem:$0x3F9F]  }
0x1a: {  	s8 =	sadd.s32 $0xFFFFE003, lr  }
0x1b: {  	s9 =	sadd.s32 $0xFFFFFEF7, lr;
	s5 =	simm.s32 $0xFFFFFFFF;
	p2 =	slt.u32 s8, $0xFFFFF086  }
0x1c: {  	p1 =	slt.u32 s9, $0xF7A;
	s5 =	simm.s32 @!p2 $0x0  }
0x1d: {  	s5 =	simm.s32 @p1 $0x1;
	p0 =	seq.s32 s7, s2  }
0x1e: {  	s7 =	smul.u32 @!p0 $0xF7A, s2;
	p2 =	seq.s32 @!p0 s5, $0x0  }
0x1f: {  	s9 =	smul.u32 $0xF7A, s1;
	s8 =	simm.s32 @!p0 $0x1BF5;
	p2 =	por !p2, p0  }
0x20: {  	[sflag:s8] =	ssyncset.s32 @!p0 $0xFFFFF086;
	s6 =	sadd.s32 @!p0 s3, s7;
	s7 =	simm.s32 @!p0 $0x108  }
0x21: {  	s3 =	sadd.s32 s3, s9;
	s6 =	sadd.s32 @!p0 $0x88, s6;
	s7 =	simm.s32 @p2 $0x1082  }
0x22: {  	[simem:s7], [sflag:s8] =	dma.local @!p0 [hbm:s6], $0xF7A  }
0x23: {  	s9 =	sor.u32 $0xD0000000, s2;
	s6 =	simm.s32 $0x108;
	_ =	swait.ge @!p0 [sflag:s8], $0x0  }
0x24: {  	s3 =	sadd.s32 $0x88, s3;
	s6 =	simm.s32 @!p1 $0x1082;
	[sflag:s4] =	ssyncset.s32 $0xFFFFF086  }
0x25: {  	[simem:s6], [sflag:s4] =	dma.local [hbm:s3], $0xF7A  }
0x26: {  	[smem:$0x3F9F] =	sst s1;
	(tag) =	ssettag s2;
	_ =	strace s9  }
0x27: {  	s1 =	sld [smem:$0x3FAF]  }
0x28: {  	s2 =	sld [smem:$0x3FB0]  }
0x29: {  	s4 =	sld [smem:$0x3FB2]  }
0x2a: {  	p0 =	seq.s32 s5, $0x0;
	s5 =	sld [smem:$0x3FB3]  }
0x2b: {  	s6 =	sld [smem:$0x3FB4]  }
0x2c: {  	s7 =	sld [smem:$0x3FB5]  }
0x2d: {  	s3 =	simm.s32 $0x108;
	s8 =	sld [smem:$0x3FB6]  }
0x2e: {  	s3 =	simm.s32 @!p0 $0x1082;
	s9 =	sld [smem:$0x3FB7]  }
0x2f: {  	lr =	sadd.s32 s0, s3;
	s0 =	sld [smem:$0x3FAE]  }
0x30: {  	s3 =	sld [smem:$0x3FB1]  }
0x31: {  	[smem:$0x3FBA] =	sst s10  }
0x32: {  	s10 =	sld [smem:$0x3FB8];
	_ =	sdelay $0x3  }
0x33: {  	p0 =	seq.s32 s10, $0x1;
	s10 =	sld [smem:$0x3FBA];
	_ =	sdelay $0x3  }
0x34: {  	[smem:$0x3FBA] =	sst s10  }
0x35: {  	s10 =	sld [smem:$0x3FB9];
	_ =	sdelay $0x3  }
0x36: {  	p1 =	seq.s32 s10, $0x1;
	s10 =	sld [smem:$0x3FBA];
	_ =	sdelay $0x3  }
0x37: {  	[smem:$0x3FBA] =	sst s10  }
0x38: {  	s10 =	sld [smem:$0x3FBB]  }
0x39: {  	_ = 	snop;
	(pc) =	sbr.ind lr, $3  }
0x3a: {  	_ = 	snop  }
0x3b: {  	_ = 	snop  }
0x3c: {  	p2 =	seq.s32 s10, $0x1;
	s10 =	sld [smem:$0x3FBA]  }
0x3d: {  	_ =	shalt  }
0x3e: {  	_ =	shalt  }
0x3f: {  	_ =	shalt  }
0x40: {  	_ =	shalt  }
0x41: {  	_ =	shalt  }
0x42: {  	_ =	shalt  }
0x43: {  	_ =	shalt  }
0x44: {  	_ =	shalt  }
0x45: {  	_ =	shalt  }
0x46: {  	_ =	shalt  }
0x47: {  	_ =	shalt  }
0x48: {  	_ =	shalt  }
0x49: {  	_ =	shalt  }
0x4a: {  	_ =	shalt  }
0x4b: {  	_ =	shalt  }
0x4c: {  	_ =	shalt  }
0x4d: {  	_ =	shalt  }
0x4e: {  	_ =	shalt  }
0x4f: {  	_ =	shalt  }
0x50: {  	_ =	shalt  }
0x51: {  	_ =	shalt  }
0x52: {  	_ =	shalt  }
0x53: {  	_ =	shalt  }
0x54: {  	_ =	shalt  }
0x55: {  	_ =	shalt  }
0x56: {  	_ =	shalt  }
0x57: {  	_ =	shalt  }
0x58: {  	_ =	shalt  }
0x59: {  	_ =	shalt  }
0x5a: {  	_ =	shalt  }
0x5b: {  	_ =	shalt  }
0x5c: {  	_ =	shalt  }
0x5d: {  	_ =	shalt  }
0x5e: {  	_ =	shalt  }
0x5f: {  	_ =	shalt  }
0x60: {  	_ =	shalt  }
0x61: {  	_ =	shalt  }
0x62: {  	_ =	shalt  }
0x63: {  	_ =	shalt  }
0x64: {  	_ =	shalt  }
0x65: {  	_ =	shalt  }
0x66: {  	_ =	shalt  }
0x67: {  	_ =	shalt  }
0x68: {  	_ =	shalt  }
0x69: {  	_ =	shalt  }
0x6a: {  	_ =	shalt  }
0x6b: {  	_ =	shalt  }
0x6c: {  	_ =	shalt  }
0x6d: {  	_ =	shalt  }
0x6e: {  	_ =	shalt  }
0x6f: {  	_ =	shalt  }
0x70: {  	_ =	shalt  }
0x71: {  	_ =	shalt  }
0x72: {  	_ =	shalt  }
0x73: {  	_ =	shalt  }
0x74: {  	_ =	shalt  }
0x75: {  	_ =	shalt  }
0x76: {  	_ =	shalt  }
0x77: {  	_ =	shalt  }
0x78: {  	_ =	shalt  }
0x79: {  	_ =	shalt  }
0x7a: {  	_ =	shalt  }
0x7b: {  	_ =	shalt  }
0x7c: {  	_ =	shalt  }
0x7d: {  	_ =	shalt  }
0x7e: {  	_ =	shalt  }
0x7f: {  	_ =	shalt  }
0x80: {  	_ =	shalt  }
0x81: {  	_ =	shalt  }
0x82: {  	_ =	shalt  }
0x83: {  	_ =	shalt  }
0x84: {  	_ =	shalt  }
0x85: {  	_ =	shalt  }
0x86: {  	_ =	shalt  }
0x87: {  	_ =	shalt  }
.Lfunc_end0:
.L_simem_size_0:
called_computation.1_lowered:
.L_overlay_start_0:
0x88: {  	s2 =	sld [smem:$0x3FD9]  }
0x89: {  	s3 =	sld [smem:$0x3FFE];
	_ =	sdelay $0x1  }
0x8a: {  	s1 =	srdreg.scid  }
0x8b: {  	s0 =	sand.u32 $0x1, s1  }
0x8c: {  	s17 =	sshll.u32 s0, $0xA;
	s2 =	sadd.s32 s3, s2  }
0x8d: {  	s2 =	sadd.s32 s2, s17  }
0x8e: {  	[smem:$0x3FC6] =	sst s2  }
0x8f: {  	_ = 	snop  }
0x90: {  	s2 =	sld [smem:$0x3FD0];
	(tm) =	ssettm $0x1  }
0x91: {  	s18 =	sld [smem:$0x3FFB];
	_ =	sdelay $0x3  }
0x92: {  	_ =	strace s18  }
0x93: {  	s3 =	sld [smem:$0x3FFC];
	_ =	sdelay $0x3  }
0x94: {  	_ =	strace s3  }
0x95: {  	s3 =	sld [smem:$0x3FFD];
	_ =	sdelay $0x3  }
0x96: {  	_ =	strace s3  }
0x97: {  	_ =	strace $0x8FFFFFFF  }
0x98: {  	s19 =	sld [smem:$0x3FDB];
	_ =	sdelay $0x1  }
0x99: {  	s4 =	simm.s32 $_scs_section_size  }
0x9a: {  	s5 =	simm.s32 $_size__tile_overlayer_lowered;
	s6 =	simm.s32 $_tile_overlayer_lowered  }
0x9b: {  	s22 =	simm.s32 $0x1BFF;
	s21 =	sshll.u32 s6, $0x1;
	s3 =	sadd.s32 s4, s19  }
0x9c: {  	s7 =	simm.s32 $0x0;
	s20 =	sshll.u32 s5, $0x1;
	s5 =	sadd.s32 s21, s3  }
0x9d: {  	[timem:s7], [sflag:s22] =	dma.local [hbm:s5], s20  }
0x9e: {  	_ =	swait.ge [sflag:s22], s20  }
0x9f: {  	s4 =	ssub.s32 $0x0, s20;
	[sflag:s22] =	ssyncset.done $0x0  }
0xa0: {  	[sflag:s22] =	ssyncadd.s32 s4;
	_ =	sdelay $0x1  }
0xa1: {  	s23 =	simm.s32 $0x1B8B  }
0xa2: {  	_ =	swait.ge [sflag:s23], $0x1  }
0xa3: {  	[sflag:s23] =	ssyncset.done $0x0  }
0xa4: {  	s25 =	simm.s32 $0x1B8E;
	s24 =	sld [smem:$0x3FFE];
	[sflag:s23] =	ssyncadd.s32 $0xFFFFFFFF  }
0xa5: {  	s26 =	simm.s32 $execute0_lowered;
	[smem:$0x3FD2] =	sst s25  }
0xa6: {  	s5 =	sshll.u32 s26, $0x1;
	_ =	strace $0x80000046;
	[dreg:$0x1] =	wrdreg $0xFFFFFFFF  }
0xa7: {  	s28 =	simm.s32 $_size_execute0_lowered;
	s3 =	sadd.s32 s3, s5;
	[dreg:$0x0] =	wrdreg $0x0  }
0xa8: {  	s5 =	sshll.u32 s28, $0x1;
	[dreg:$0x2] =	wrdreg s3  }
0xa9: {  	[dreg:$0x3] =	wrdreg s5  }
0xaa: {  	[dreg:$0x4] =	wrdreg $0xC0  }
0xab: {  	_ =	task [dreg:s7], $0x5FFFF  }
0xac: {  	[dreg:$0x1] =	wrdreg $0xFFFFFFFF  }
0xad: {  	[dreg:$0x0] =	wrdreg $0x60  }
0xae: {  	[dreg:$0x2] =	wrdreg s24  }
0xaf: {  	[dreg:$0x3] =	wrdreg s2  }
0xb0: {  	[dreg:$0x4] =	wrdreg $0x9  }
0xb1: {  	_ =	task.clear_ibuf [dreg:s7], $0x5FFFF;
	_ =	strace $0x90000046  }
0xb2: {  	s29 =	simm.s32 $0x9;
	_ =	strace $0x8000004F  }
0xb3: {  	_ =	swait.ge [sflag:s29], $0x1  }
0xb4: {  	[sflag:s29] =	ssyncadd.s32 $0xFFFFFFFF  }
0xb5: {  	_ =	strace $0x9000004F  }
0xb6: {  	_ =	sfence  }
0xb7: {  	s30 =	sld [smem:$0x0];
	_ =	sdelay $0x2  }
0xb8: {  	s31 =	sshll.u32 s1, $0xD;
	s1 =	sshrl.u32 s1, $0x2  }
0xb9: {  	s3 =	sand.u32 $0x4000, s31;
	s1 =	sadd.s32 s1, s30  }
0xba: {  	s0 =	sor.u32 s3, s0;
	s1 =	sshll.u32 s1, $0x11  }
0xbb: {  	s0 =	sor.u32 s1, s0  }
0xbc: {  	s0 =	sadd.s32 $0x8F2B, s0  }
0xbd: {  	[sflag:s0] =	ssyncadd.remote.s32 $0x1  }
0xbe: {  	_ =	sfence.sel $0xFFFF  }
0xbf: {  	[dreg:$0x0] =	wrdreg $0xFFFFFFFF;
	(pc) =	sbr.abs _section_cstart, $3  }
0xc0: {  	[dreg:$0x1] =	wrdreg $0xFFFFFFFF  }
0xc1: {  	_ =	task.clear_ibuf [dreg:s7], $0x2FFFF;
	_ =	strace $0x9FFFFFFF  }
0xc2: {  	(tm) =	ssettm $0x7FFFFFFF  }
0xc3: {  	_ =	shalt  }
tec
execute0_lowered:
.L_overlay_start_1:
0x0: {  	(tag) =	ssettag $0x1  }
0x1: {  	s3 =	rddreg [dreg:$0x0]  }
0x2: {  	s1 =	rddreg [dreg:$0x1]  }
0x3: {  	s0 =	rddreg [dreg:$0x2];
	s2 =	simm.s32 $0x0  }
0x4: {  	s5 =	srdreg.scid;
	s9 =	simm.s32 $0x38;
	s10 =	simm.s32 $0x5  }
0x5: {  	s11 =	simm.s32 $0x0;
	[smem:$0x7FF] =	sst s2;
	s4 =	sadd.s32 $0xF53400, s3  }
0x6: {  	s6 =	sadd.s32 $0x1000, s3;
	s5 =	sand.u32 $0x1, s5;
	s3 =	stileid.u32  }
0x7: {  	_ =	strace $0x80000047;
	s7 =	ssub.s32 $0x2, s5;
	s5 =	sshll.u32 s5, $0x4  }
0x8: {  	[dreg:$0x3] =	wrdreg s6;
	s30 =	sshrl.u32 s7, $0x1;
	s8 =	sor.u32 s3, s5  }
0x9: {  	s7 =	ssub.s32 s7, s30;
	s5 =	sshll.u32 s8, $0x4;
	s31 =	sshll.u32 s8, $0xB  }
0xa: {  	s8 =	simm.s32 $0x1;
	s6 =	sadd.s32 s1, s31;
	s7 =	smax.u32 s7, $0x1  }
.LBB2_1:
0xb: {  	_ =	strace $0x80000048;
	s12 =	simm.s32 $0x1;
	p0 =	por $0x0, $0x0  }
0xc: {  	[tilespmem:s2], [sflag:$0x2] =	stream.linear.gather [hbm4b:s6+s2], $0x400, $0x200038;
	[tilespmem:$0x1C800] =	vst v63  }
0xd: {  	s12 =	simm.s32 @p0 $0x0  }
0xe: {  	p1 =	por $0x1, $0x1;
	p0 =	sne.s32 s12, $0x0  }
0xf: {  	p1 =	por !p1, !p0  }
0x10: {  	p1 =	por !p1, !p1  }
0x11: {  	s13 =	sadd.s32 @p1 s5, s12  }
0x12: {  	_ =	strace $0x90000048;
	s14 =	sand.u32 @p1 $0x1, s8;
	s13 =	sshll.u32 @p1 s13, $0x7  }
0x13: {  	s15 =	simm.s32 @p1 $0x0;
	_ =	strace @p1 $0x80000049;
	s13 =	sand.u32 @p1 $0x1FFFFF80, s13  }
0x14: {  	s16 =	sshll.u32 @p1 s14, $0xA;
	s14 =	sor.u32 @p1 $0x2, s14;
	s13 =	sadd.s32 @p1 s1, s13  }
0x15: {  	[tilespmem:s16], [sflag:s14] =	stream.linear.gather @p1 [hbm4b:s13+s15], $0x400, $0x200038;
	[tilespmem:$0x1C800] =	vst v63  }
0x16: {  	s15 =	sand.u32 $0x1, s2;
	_ =	strace @p1 $0x90000049  }
0x17: {  	s16 =	sor.u32 $0x2, s15;
	_ =	strace $0x8000004A  }
0x18: {  	_ =	swait.ge [sflag:s16], $0x400  }
0x19: {  	s17 =	smul.u32 $0x38000, s15;
	[sflag:s16] =	ssyncset.done $0x0  }
0x1a: {  	[sflag:s16] =	ssyncadd.s32 $0xFFFFFC00  }
0x1b: {  	s18 =	simm.s32 $0x0;
	s14 =	sshrl.u32 s17, $0x2;
	_ =	strace $0x9000004A  }
0x1c: {  	s13 =	sand.u32 $0x400, s18;
	s16 =	sor.u32 $0x800, s14;
	_ =	strace $0x8000004B  }
0x1d: {  	[tilespmem:s16], [sflag:$0x1] =	stream.indirect.gather [hbm4b:s4+s9], $0x80, s13, s9, $0x2000b8;
	[tilespmem:$0x1C800] =	vst v63  }
0x1e: {  	s18 =	sor.u32 $0x80, s13;
	s17 =	sadd.s32 $0x2400, s14  }
0x1f: {  	[tilespmem:s17], [sflag:$0x1] =	stream.indirect.gather [hbm4b:s4+s9], $0x80, s18, s9, $0x2000b8;
	[tilespmem:$0x1C800] =	vst v63  }
0x20: {  	s20 =	sor.u32 $0x100, s13;
	s19 =	sadd.s32 $0x4000, s14  }
0x21: {  	[tilespmem:s19], [sflag:$0x1] =	stream.indirect.gather [hbm4b:s4+s9], $0x80, s20, s9, $0x2000b8;
	[tilespmem:$0x1C800] =	vst v63  }
0x22: {  	s22 =	sor.u32 $0x180, s13;
	s21 =	sadd.s32 $0x5C00, s14  }
0x23: {  	[tilespmem:s21], [sflag:$0x1] =	stream.indirect.gather [hbm4b:s4+s9], $0x80, s22, s9, $0x2000b8;
	[tilespmem:$0x1C800] =	vst v63  }
0x24: {  	s24 =	sor.u32 $0x200, s13;
	s23 =	sadd.s32 $0x7800, s14  }
0x25: {  	[tilespmem:s23], [sflag:$0x1] =	stream.indirect.gather [hbm4b:s4+s9], $0x80, s24, s9, $0x2000b8;
	[tilespmem:$0x1C800] =	vst v63  }
0x26: {  	s26 =	sor.u32 $0x280, s13;
	s25 =	sadd.s32 $0x9400, s14  }
0x27: {  	[tilespmem:s25], [sflag:$0x1] =	stream.indirect.gather [hbm4b:s4+s9], $0x80, s26, s9, $0x2000b8;
	[tilespmem:$0x1C800] =	vst v63  }
0x28: {  	s31 =	sor.u32 $0x300, s13;
	s30 =	sadd.s32 $0xB000, s14  }
0x29: {  	[tilespmem:s30], [sflag:$0x1] =	stream.indirect.gather [hbm4b:s4+s9], $0x80, s31, s9, $0x2000b8;
	[tilespmem:$0x1C800] =	vst v63  }
0x2a: {  	s14 =	sadd.s32 $0xCC00, s14;
	s13 =	sor.u32 $0x380, s13  }
0x2b: {  	[tilespmem:s14], [sflag:$0x1] =	stream.indirect.gather [hbm4b:s4+s9], $0x80, s13, s9, $0x2000b8;
	[tilespmem:$0x1C800] =	vst v63  }
0x2c: {  	_ =	swait.ge [sflag:s8], $0x1C00  }
0x2d: {  	[sflag:s8] =	ssyncset.done $0x0  }
0x2e: {  	[sflag:s8] =	ssyncadd.s32 $0xFFFFE400  }
0x2f: {  	_ =	swait.ge [sflag:s8], $0x1C00  }
0x30: {  	[sflag:s8] =	ssyncset.done $0x0  }
0x31: {  	[sflag:s8] =	ssyncadd.s32 $0xFFFFE400  }
0x32: {  	_ =	swait.ge [sflag:s8], $0x1C00  }
0x33: {  	[sflag:s8] =	ssyncset.done $0x0  }
0x34: {  	[sflag:s8] =	ssyncadd.s32 $0xFFFFE400  }
0x35: {  	_ =	swait.ge [sflag:s8], $0x1C00  }
0x36: {  	[sflag:s8] =	ssyncset.done $0x0  }
0x37: {  	p2 =	por $0x1, $0x1;
	p3 =	por $0x0, $0x0;
	[sflag:s8] =	ssyncadd.s32 $0xFFFFE400  }
0x38: {  	p4 =	por $0x0, $0x0;
	p6 =	por $0x1, $0x1;
	_ =	swait.ge [sflag:s8], $0x1C00  }
0x39: {  	p5 =	por p3, p0;
	s17 =	simm.s32 $0xE;
	[sflag:s8] =	ssyncset.done $0x0  }
0x3a: {  	s19 =	sadd.s32 $0x0, s5;
	s20 =	sadd.s32 $0x1, s12;
	[sflag:s8] =	ssyncadd.s32 $0xFFFFE400  }
0x3b: {  	s22 =	smul.u32 @p5 $0xE000, s19;
	s19 =	simm.s32 $0x0;
	_ =	swait.ge [sflag:s8], $0x1C00  }
0x3c: {  	s21 =	simm.s32 $0x0;
	s23 =	simm.s32 @p5 $0x0;
	[sflag:s8] =	ssyncset.done $0x0  }
0x3d: {  	s26 =	simm.s32 $0x1;
	s14 =	simm.s32 $0x1;
	[sflag:s8] =	ssyncadd.s32 $0xFFFFE400  }
0x3e: {  	s14 =	simm.s32 @!p1 $0x0;
	p1 =	por p2, p2;
	_ =	swait.ge [sflag:s8], $0x1C00  }
0x3f: {  	s18 =	sadd.s32 $0x1, s14;
	s14 =	sand.u32 @!p2 $0x1, s2;
	[sflag:s8] =	ssyncset.done $0x0  }
0x40: {  	s24 =	sor.u32 @!p1 $0x4, s14;
	s14 =	simm.s32 $0x1;
	[sflag:s8] =	ssyncadd.s32 $0xFFFFE400  }
0x41: {  	s14 =	simm.s32 @!p4 $0x0;
	p4 =	seq.s32 s20, $0x10;
	_ =	swait.ge [sflag:s8], $0x1C00  }
0x42: {  	s26 =	simm.s32 @!p5 $0x0;
	s20 =	simm.s32 @p4 $0x0;
	[sflag:s8] =	ssyncset.done $0x0  }
0x43: {  	s13 =	simm.s32 $0xF;
	p0 =	sne.s32 s12, s20;
	[sflag:s8] =	ssyncadd.s32 $0xFFFFE400  }
0x44: {  	p2 =	por $0x0, $0x0;
	p3 =	por !p6, !p0;
	_ =	strace $0x9000004B  }
0x45: {  	s14 =	sadd.s32 $0x0, s14;
	p4 =	por !p3, !p3;
	_ =	strace @p5 $0x8000004C  }
0x46: {  	s25 =	sand.u32 @p4 $0x1, s18;
	s29 =	sadd.s32 @p4 s5, s20;
	s28 =	rddreg [dreg:$0x3]  }
.LBB2_2:
0x47: {  	s30 =	sshrl.u32 @p5 s22, $0x3  }
0x48: {  	s15 =	sor.u32 @p5 $0x4, s15;
	s28 =	sadd.s32 @p5 s28, s30  }
0x49: {  	[hbm4b:s28+s23] =	stream.linear.scatter @p5 [tilespmem:s16], [sflag:s15], $0xE000, $0x200038;
	[tilespmem:$0x1C800] =	vst v63  }
0x4a: {  	_ =	strace @p5 $0x9000004C  }
0x4b: {  	s29 =	sshll.u32 @p4 s29, $0x7;
	_ =	strace @!p1 $0x8000004D  }
0x4c: {  	s19 =	sadd.s32 s26, s19;
	s21 =	sadd.s32 s26, s21;
	_ =	swait.ge @!p1 [sflag:s24], $0xE000  }
0x4d: {  	s29 =	sand.u32 @p4 $0x1FFFFF80, s29;
	s15 =	simm.s32 $0x1;
	[sflag:s24] =	ssyncset.done @!p1 $0x0  }
0x4e: {  	s26 =	sadd.s32 @p4 s1, s29;
	s15 =	simm.s32 @!p4 $0x0;
	[sflag:s24] =	ssyncadd.s32 @!p1 $0xFFFF2000  }
0x4f: {  	s16 =	sshll.u32 @p4 s25, $0xA;
	s18 =	sadd.s32 s15, s18;
	_ =	strace @!p1 $0x9000004D  }
0x50: {  	s15 =	simm.s32 @p4 $0x0;
	s24 =	sor.u32 @p4 $0x2, s25;
	_ =	strace @p4 $0x80000049  }
0x51: {  	[tilespmem:s16], [sflag:s24] =	stream.linear.gather @p4 [hbm4b:s26+s15], $0x400, $0x200038;
	[tilespmem:$0x1C800] =	vst v63  }
0x52: {  	s29 =	sand.u32 $0x1, s21;
	_ =	strace @p4 $0x90000049  }
0x53: {  	s25 =	sor.u32 $0x2, s29;
	_ =	strace $0x8000004A  }
0x54: {  	s15 =	sand.u32 $0x1, s19;
	_ =	swait.ge [sflag:s25], $0x400  }
0x55: {  	s26 =	smul.u32 $0x38000, s15;
	[sflag:s25] =	ssyncset.done $0x0  }
0x56: {  	[sflag:s25] =	ssyncadd.s32 $0xFFFFFC00  }
0x57: {  	s28 =	sshll.u32 s21, $0xA;
	s24 =	sshrl.u32 s26, $0x2;
	_ =	strace $0x9000004A  }
0x58: {  	s16 =	sor.u32 $0x800, s24;
	s25 =	sand.u32 $0x400, s28;
	_ =	strace $0x8000004B  }
0x59: {  	[tilespmem:s16], [sflag:$0x1] =	stream.indirect.gather [hbm4b:s4+s9], $0x80, s25, s9, $0x2000b8;
	[tilespmem:$0x1C800] =	vst v63  }
0x5a: {  	s30 =	sadd.s32 $0x2400, s24;
	s28 =	sor.u32 $0x80, s25  }
0x5b: {  	[tilespmem:s30], [sflag:$0x1] =	stream.indirect.gather [hbm4b:s4+s9], $0x80, s28, s9, $0x2000b8;
	[tilespmem:$0x1C800] =	vst v63  }
0x5c: {  	s31 =	sadd.s32 $0x4000, s24;
	s28 =	sor.u32 $0x100, s25  }
0x5d: {  	[tilespmem:s31], [sflag:$0x1] =	stream.indirect.gather [hbm4b:s4+s9], $0x80, s28, s9, $0x2000b8;
	[tilespmem:$0x1C800] =	vst v63  }
0x5e: {  	s30 =	sadd.s32 $0x5C00, s24;
	s28 =	sor.u32 $0x180, s25  }
0x5f: {  	[tilespmem:s30], [sflag:$0x1] =	stream.indirect.gather [hbm4b:s4+s9], $0x80, s28, s9, $0x2000b8;
	[tilespmem:$0x1C800] =	vst v63  }
0x60: {  	s31 =	sadd.s32 $0x7800, s24;
	s28 =	sor.u32 $0x200, s25  }
0x61: {  	[tilespmem:s31], [sflag:$0x1] =	stream.indirect.gather [hbm4b:s4+s9], $0x80, s28, s9, $0x2000b8;
	[tilespmem:$0x1C800] =	vst v63  }
0x62: {  	s30 =	sadd.s32 $0x9400, s24;
	s28 =	sor.u32 $0x280, s25  }
0x63: {  	[tilespmem:s30], [sflag:$0x1] =	stream.indirect.gather [hbm4b:s4+s9], $0x80, s28, s9, $0x2000b8;
	[tilespmem:$0x1C800] =	vst v63  }
0x64: {  	s31 =	sadd.s32 $0xB000, s24;
	s28 =	sor.u32 $0x300, s25  }
0x65: {  	[tilespmem:s31], [sflag:$0x1] =	stream.indirect.gather [hbm4b:s4+s9], $0x80, s28, s9, $0x2000b8;
	[tilespmem:$0x1C800] =	vst v63  }
0x66: {  	s24 =	sadd.s32 $0xCC00, s24;
	s25 =	sor.u32 $0x380, s25  }
0x67: {  	[tilespmem:s24], [sflag:$0x1] =	stream.indirect.gather [hbm4b:s4+s9], $0x80, s25, s9, $0x2000b8;
	[tilespmem:$0x1C800] =	vst v63  }
0x68: {  	_ =	swait.ge [sflag:s8], $0x1C00  }
0x69: {  	[sflag:s8] =	ssyncset.done $0x0  }
0x6a: {  	[sflag:s8] =	ssyncadd.s32 $0xFFFFE400  }
0x6b: {  	_ =	swait.ge [sflag:s8], $0x1C00  }
0x6c: {  	[sflag:s8] =	ssyncset.done $0x0  }
0x6d: {  	[sflag:s8] =	ssyncadd.s32 $0xFFFFE400  }
0x6e: {  	_ =	swait.ge [sflag:s8], $0x1C00  }
0x6f: {  	[sflag:s8] =	ssyncset.done $0x0  }
0x70: {  	[sflag:s8] =	ssyncadd.s32 $0xFFFFE400  }
0x71: {  	_ =	swait.ge [sflag:s8], $0x1C00  }
0x72: {  	[sflag:s8] =	ssyncset.done $0x0  }
0x73: {  	[sflag:s8] =	ssyncadd.s32 $0xFFFFE400  }
0x74: {  	s22 =	smov.u32 s13;
	s13 =	smov.u32 s17;
	_ =	swait.ge [sflag:s8], $0x1C00  }
0x75: {  	s17 =	sadd.s32 $0xFFFFFFFF, s17;
	p6 =	seq.s32 s22, $0x1;
	[sflag:s8] =	ssyncset.done $0x0  }
0x76: {  	p5 =	sne.s32 s22, $0x10;
	s22 =	simm.s32 $0x1;
	[sflag:s8] =	ssyncadd.s32 $0xFFFFE400  }
0x77: {  	p3 =	sne.s32 s17, $0x0;
	s22 =	simm.s32 @!p5 $0x0;
	_ =	swait.ge [sflag:s8], $0x1C00  }
0x78: {  	s23 =	sand.u32 @!p2 $0x1, s14;
	s14 =	sadd.s32 s22, s14;
	[sflag:s8] =	ssyncset.done $0x0  }
0x79: {  	p1 =	por p2, p2;
	p2 =	seq.s32 s13, $0x10;
	[sflag:s8] =	ssyncadd.s32 $0xFFFFE400  }
0x7a: {  	s26 =	simm.s32 $0x1;
	s25 =	sadd.s32 s5, s12;
	_ =	swait.ge [sflag:s8], $0x1C00  }
0x7b: {  	s12 =	smov.u32 s20;
	s20 =	sadd.s32 $0x1, s20;
	[sflag:s8] =	ssyncset.done $0x0  }
0x7c: {  	s24 =	sor.u32 @!p1 $0x4, s23;
	p5 =	seq.s32 s20, $0x10;
	[sflag:s8] =	ssyncadd.s32 $0xFFFFE400  }
0x7d: {  	s20 =	simm.s32 @p5 $0x0;
	p5 =	por p6, p0;
	_ =	swait.ge [sflag:s8], $0x1C00  }
.Ltmp0:
0x7e: {  	p6 =	sne.s32 s13, $0x1;
	[sflag:s8] =	ssyncset.done $0x0;
	(pc) =	sbr.rel @p3 .LBB2_2-.Ltmp0, $4  }
0x7f: {  	p0 =	sne.s32 s12, s20;
	s23 =	simm.s32 @p5 $0x0;
	[sflag:s8] =	ssyncadd.s32 $0xFFFFE400  }
0x80: {  	s22 =	smul.u32 @p5 $0xE000, s25;
	p4 =	por !p6, !p0;
	_ =	strace $0x9000004B  }
0x81: {  	s26 =	simm.s32 @!p5 $0x0;
	p4 =	por !p4, !p4;
	_ =	strace @p5 $0x8000004C  }
0x82: {  	s25 =	sand.u32 @p4 $0x1, s18;
	s29 =	sadd.s32 @p4 s5, s20;
	s28 =	rddreg [dreg:$0x3]  }
0x83: {  	s17 =	sshrl.u32 @p5 s22, $0x3  }
0x84: {  	s15 =	sor.u32 @p5 $0x4, s15;
	s17 =	sadd.s32 @p5 s28, s17  }
0x85: {  	[hbm4b:s17+s23] =	stream.linear.scatter @p5 [tilespmem:s16], [sflag:s15], $0xE000, $0x200038;
	[tilespmem:$0x1C800] =	vst v63  }
0x86: {  	_ =	strace @p5 $0x9000004C  }
0x87: {  	_ =	strace @!p1 $0x8000004D  }
0x88: {  	_ =	swait.ge @!p1 [sflag:s24], $0xE000  }
0x89: {  	s18 =	sshll.u32 @p4 s25, $0xA;
	[sflag:s24] =	ssyncset.done @!p1 $0x0  }
0x8a: {  	s20 =	sor.u32 @p4 $0x2, s25;
	s15 =	sshll.u32 @p4 s29, $0x7;
	[sflag:s24] =	ssyncadd.s32 @!p1 $0xFFFF2000  }
0x8b: {  	s23 =	sadd.s32 s26, s21;
	s15 =	sand.u32 @p4 $0x1FFFFF80, s15;
	_ =	strace @!p1 $0x9000004D  }
0x8c: {  	s17 =	simm.s32 @p4 $0x0;
	s15 =	sadd.s32 @p4 s1, s15;
	_ =	strace @p4 $0x80000049  }
0x8d: {  	[tilespmem:s18], [sflag:s20] =	stream.linear.gather @p4 [hbm4b:s15+s17], $0x400, $0x200038;
	[tilespmem:$0x1C800] =	vst v63  }
0x8e: {  	s25 =	sand.u32 $0x1, s23;
	_ =	strace @p4 $0x90000049  }
0x8f: {  	s28 =	sadd.s32 s26, s19;
	s29 =	sor.u32 $0x2, s25;
	_ =	strace $0x8000004A  }
0x90: {  	s15 =	sand.u32 $0x1, s28;
	_ =	swait.ge [sflag:s29], $0x400  }
0x91: {  	s17 =	smul.u32 $0x38000, s15;
	[sflag:s29] =	ssyncset.done $0x0  }
0x92: {  	[sflag:s29] =	ssyncadd.s32 $0xFFFFFC00  }
0x93: {  	s16 =	sshll.u32 s23, $0xA;
	s17 =	sshrl.u32 s17, $0x2;
	_ =	strace $0x9000004A  }
0x94: {  	s16 =	sand.u32 $0x400, s16;
	s18 =	sor.u32 $0x800, s17;
	_ =	strace $0x8000004B  }
0x95: {  	[tilespmem:s18], [sflag:$0x1] =	stream.indirect.gather [hbm4b:s4+s9], $0x80, s16, s9, $0x2000b8;
	[tilespmem:$0x1C800] =	vst v63  }
0x96: {  	s31 =	sor.u32 $0x80, s16;
	s30 =	sadd.s32 $0x2400, s17  }
0x97: {  	[tilespmem:s30], [sflag:$0x1] =	stream.indirect.gather [hbm4b:s4+s9], $0x80, s31, s9, $0x2000b8;
	[tilespmem:$0x1C800] =	vst v63  }
0x98: {  	s22 =	sor.u32 $0x100, s16;
	s21 =	sadd.s32 $0x4000, s17  }
0x99: {  	[tilespmem:s21], [sflag:$0x1] =	stream.indirect.gather [hbm4b:s4+s9], $0x80, s22, s9, $0x2000b8;
	[tilespmem:$0x1C800] =	vst v63  }
0x9a: {  	s24 =	sor.u32 $0x180, s16;
	s23 =	sadd.s32 $0x5C00, s17  }
0x9b: {  	[tilespmem:s23], [sflag:$0x1] =	stream.indirect.gather [hbm4b:s4+s9], $0x80, s24, s9, $0x2000b8;
	[tilespmem:$0x1C800] =	vst v63  }
0x9c: {  	s26 =	sor.u32 $0x200, s16;
	s25 =	sadd.s32 $0x7800, s17  }
0x9d: {  	[tilespmem:s25], [sflag:$0x1] =	stream.indirect.gather [hbm4b:s4+s9], $0x80, s26, s9, $0x2000b8;
	[tilespmem:$0x1C800] =	vst v63  }
0x9e: {  	s28 =	sadd.s32 $0x9400, s17;
	s29 =	sor.u32 $0x280, s16  }
0x9f: {  	[tilespmem:s28], [sflag:$0x1] =	stream.indirect.gather [hbm4b:s4+s9], $0x80, s29, s9, $0x2000b8;
	[tilespmem:$0x1C800] =	vst v63  }
0xa0: {  	s30 =	sadd.s32 $0xB000, s17;
	s31 =	sor.u32 $0x300, s16  }
0xa1: {  	[tilespmem:s30], [sflag:$0x1] =	stream.indirect.gather [hbm4b:s4+s9], $0x80, s31, s9, $0x2000b8;
	[tilespmem:$0x1C800] =	vst v63  }
0xa2: {  	s17 =	sadd.s32 $0xCC00, s17;
	s16 =	sor.u32 $0x380, s16  }
0xa3: {  	[tilespmem:s17], [sflag:$0x1] =	stream.indirect.gather [hbm4b:s4+s9], $0x80, s16, s9, $0x2000b8;
	[tilespmem:$0x1C800] =	vst v63  }
0xa4: {  	_ =	swait.ge [sflag:s8], $0x1C00  }
0xa5: {  	[sflag:s8] =	ssyncset.done $0x0  }
0xa6: {  	[sflag:s8] =	ssyncadd.s32 $0xFFFFE400  }
0xa7: {  	_ =	swait.ge [sflag:s8], $0x1C00  }
0xa8: {  	[sflag:s8] =	ssyncset.done $0x0  }
0xa9: {  	[sflag:s8] =	ssyncadd.s32 $0xFFFFE400  }
0xaa: {  	_ =	swait.ge [sflag:s8], $0x1C00  }
0xab: {  	[sflag:s8] =	ssyncset.done $0x0  }
0xac: {  	[sflag:s8] =	ssyncadd.s32 $0xFFFFE400  }
0xad: {  	_ =	swait.ge [sflag:s8], $0x1C00  }
0xae: {  	[sflag:s8] =	ssyncset.done $0x0  }
0xaf: {  	[sflag:s8] =	ssyncadd.s32 $0xFFFFE400  }
0xb0: {  	_ =	swait.ge [sflag:s8], $0x1C00  }
0xb1: {  	[sflag:s8] =	ssyncset.done $0x0  }
0xb2: {  	[sflag:s8] =	ssyncadd.s32 $0xFFFFE400  }
0xb3: {  	_ =	swait.ge [sflag:s8], $0x1C00  }
0xb4: {  	[sflag:s8] =	ssyncset.done $0x0  }
0xb5: {  	[sflag:s8] =	ssyncadd.s32 $0xFFFFE400  }
0xb6: {  	_ =	swait.ge [sflag:s8], $0x1C00  }
0xb7: {  	[sflag:s8] =	ssyncset.done $0x0  }
0xb8: {  	[sflag:s8] =	ssyncadd.s32 $0xFFFFE400  }
0xb9: {  	_ =	swait.ge [sflag:s8], $0x1C00  }
0xba: {  	p6 =	seq.s32 s13, $0x1;
	[sflag:s8] =	ssyncset.done $0x0  }
0xbb: {  	s12 =	sadd.s32 s5, s12;
	p0 =	por p6, p0;
	[sflag:s8] =	ssyncadd.s32 $0xFFFFE400  }
0xbc: {  	s12 =	smul.u32 @p0 $0xE000, s12;
	_ =	strace $0x9000004B  }
0xbd: {  	_ =	strace @p0 $0x8000004C  }
0xbe: {  	s12 =	sshrl.u32 @p0 s12, $0x3;
	s13 =	rddreg [dreg:$0x3]  }
0xbf: {  	s15 =	sor.u32 @p0 $0x4, s15;
	s16 =	simm.s32 @p0 $0x0;
	s12 =	sadd.s32 @p0 s13, s12  }
0xc0: {  	[hbm4b:s12+s16] =	stream.linear.scatter @p0 [tilespmem:s18], [sflag:s15], $0xE000, $0x200038;
	[tilespmem:$0x1C800] =	vst v63  }
0xc1: {  	p1 =	por p2, p2;
	s12 =	sand.u32 @!p2 $0x1, s14;
	_ =	strace @p0 $0x9000004C  }
0xc2: {  	s12 =	sor.u32 @!p1 $0x4, s12;
	_ =	strace @!p1 $0x8000004D  }
0xc3: {  	_ =	swait.ge @!p1 [sflag:s12], $0xE000  }
0xc4: {  	[sflag:s12] =	ssyncset.done @!p1 $0x0  }
0xc5: {  	s11 =	sadd.s32 $0x1, s11;
	[sflag:s12] =	ssyncadd.s32 @!p1 $0xFFFF2000  }
0xc6: {  	p0 =	sne.s32 s11, s7;
	_ =	strace @!p1 $0x9000004D  }
.Ltmp1:
0xc7: {  	_ =	strace $0x8000004E;
	(pc) =	sbr.rel @p0 .LBB2_1-.Ltmp1, $4  }
0xc8: {  	_ =	swait.ge [sflag:s10], $0xE000  }
0xc9: {  	[sflag:s10] =	ssyncset.done $0x0  }
0xca: {  	[sflag:s10] =	ssyncadd.s32 $0xFFFF2000  }
0xcb: {  	_ =	strace $0x9000004E  }
0xcc: {  	_ =	sfence.sel $0x180000  }
0xcd: {  	[bflag:$0x0] =	sbarrier.arrive $0xFFFF  }
0xce: {  	p0 =	sne.s32 s3, $0x0;
	_ =	strace $0x90000047  }
0xcf: {  	s0 =	sadd.s32 @!p0 $0x100000, s0;
	[bflag:$0x2] =	sbarrier.arrive $0xFFFF  }
0xd0: {  	[sflag:s0] =	ssyncadd.tile.s32 @!p0 $0x1;
	_ =	shalt  }
.Lfunc_end2:
_tile_overlayer_lowered:
.L_overlay_start_2:
0xd1: {  	(tag) =	ssettag $0x2  }
0xd2: {  	s0 =	rddreg [dreg:$0x0];
	s2 =	stileid.u32  }
0xd3: {  	s1 =	rddreg [dreg:$0x1];
	p0 =	sne.s32 s2, $0x0  }
0xd4: {  	s3 =	rddreg [dreg:$0x2];
	[bflag:$0x3] =	sbarrier.arrive $0xFFFF;
	s2 =	simm.s32 @!p0 $0x1C02  }
0xd5: {  	[timem:s3], [sflag:s2] =	dma.local @!p0 [hbm:s0], s1  }
0xd6: {  	s0 =	simm.s32 @!p0 $0x2  }
0xd7: {  	_ =	swait.ge @!p0 [sflag:s0], s1  }
0xd8: {  	s1 =	ssub.s32 @!p0 $0x0, s1;
	[sflag:s0] =	ssyncset.done @!p0 $0x0  }
0xd9: {  	[sflag:s0] =	ssyncadd.s32 @!p0 s1  }
0xda: {  	[bflag:$0x3] =	sbarrier.arrive $0xFFFF  }
0xdb: {  	_ =	shalt  }

// kernel: sparse-core-data-format-call.cloned.1.call-start
scs
called_computation_lowered:
.L_overlay_start_0:
0x0: {  	s2 =	sld [smem:$0x3FD9]  }
0x1: {  	s3 =	sld [smem:$0x3FFE];
	_ =	sdelay $0x1  }
0x2: {  	s1 =	srdreg.scid  }
0x3: {  	s0 =	sand.u32 $0x1, s1  }
0x4: {  	s18 =	sshll.u32 s0, $0xA;
	s2 =	sadd.s32 s3, s2  }
0x5: {  	s2 =	sadd.s32 s2, s18  }
0x6: {  	[smem:$0x3FC6] =	sst s2  }
0x7: {  	_ = 	snop  }
0x8: {  	s2 =	sld [smem:$0x3FD0];
	(tm) =	ssettm $0x1  }
0x9: {  	s19 =	sld [smem:$0x3FFB];
	_ =	sdelay $0x3  }
0xa: {  	_ =	strace s19  }
0xb: {  	s3 =	sld [smem:$0x3FFC];
	_ =	sdelay $0x3  }
0xc: {  	_ =	strace s3  }
0xd: {  	s3 =	sld [smem:$0x3FFD];
	_ =	sdelay $0x3  }
0xe: {  	_ =	strace s3  }
0xf: {  	_ =	strace $0x8FFFFFFF  }
0x10: {  	s20 =	sld [smem:$0x3FDB];
	_ =	sdelay $0x1  }
0x11: {  	s4 =	simm.s32 $_scs_section_size  }
0x12: {  	s5 =	simm.s32 $_size__tile_overlayer_lowered;
	s6 =	simm.s32 $_tile_overlayer_lowered  }
0x13: {  	s23 =	simm.s32 $0x1BFF;
	s22 =	sshll.u32 s6, $0x1;
	s3 =	sadd.s32 s4, s20  }
0x14: {  	s7 =	simm.s32 $0x0;
	s21 =	sshll.u32 s5, $0x1;
	s5 =	sadd.s32 s22, s3  }
0x15: {  	[timem:s7], [sflag:s23] =	dma.local [hbm:s5], s21  }
0x16: {  	_ =	swait.ge [sflag:s23], s21  }
0x17: {  	s4 =	ssub.s32 $0x0, s21;
	[sflag:s23] =	ssyncset.done $0x0  }
0x18: {  	[sflag:s23] =	ssyncadd.s32 s4;
	_ =	sdelay $0x1  }
0x19: {  	s24 =	simm.s32 $0x1B8B  }
0x1a: {  	_ =	swait.ge [sflag:s24], $0x1  }
0x1b: {  	[sflag:s24] =	ssyncset.done $0x0  }
0x1c: {  	s26 =	simm.s32 $0x1B8E;
	s25 =	sld [smem:$0x3FFE];
	[sflag:s24] =	ssyncadd.s32 $0xFFFFFFFF  }
0x1d: {  	s27 =	simm.s32 $execute0_lowered;
	[smem:$0x3FD2] =	sst s26  }
0x1e: {  	s5 =	sshll.u32 s27, $0x1;
	_ =	strace $0x80000050;
	[dreg:$0x1] =	wrdreg $0xFFFFFFFF  }
0x1f: {  	s28 =	simm.s32 $_size_execute0_lowered;
	s3 =	sadd.s32 s3, s5;
	[dreg:$0x0] =	wrdreg $0x0  }
0x20: {  	s5 =	sshll.u32 s28, $0x1;
	[dreg:$0x2] =	wrdreg s3  }
0x21: {  	[dreg:$0x3] =	wrdreg s5  }
0x22: {  	[dreg:$0x4] =	wrdreg $0xC0  }
0x23: {  	_ =	task [dreg:s7], $0x5FFFF  }
0x24: {  	[dreg:$0x1] =	wrdreg $0xFFFFFFFF  }
0x25: {  	[dreg:$0x0] =	wrdreg $0x60  }
0x26: {  	[dreg:$0x2] =	wrdreg s25  }
0x27: {  	[dreg:$0x3] =	wrdreg s2  }
0x28: {  	[dreg:$0x4] =	wrdreg $0x9  }
0x29: {  	_ =	task.clear_ibuf [dreg:s7], $0x5FFFF;
	_ =	strace $0x90000050  }
0x2a: {  	s29 =	simm.s32 $0x9;
	_ =	strace $0x80000052  }
0x2b: {  	_ =	swait.ge [sflag:s29], $0x1  }
0x2c: {  	[sflag:s29] =	ssyncadd.s32 $0xFFFFFFFF  }
0x2d: {  	_ =	strace $0x90000052  }
0x2e: {  	_ =	sfence  }
0x2f: {  	s30 =	sld [smem:$0x0];
	_ =	sdelay $0x2  }
0x30: {  	s31 =	sshll.u32 s1, $0xD;
	s1 =	sshrl.u32 s1, $0x2  }
0x31: {  	s3 =	sand.u32 $0x4000, s31;
	s1 =	sadd.s32 s1, s30  }
0x32: {  	s0 =	sor.u32 s3, s0;
	s1 =	sshll.u32 s1, $0x11  }
0x33: {  	s0 =	sor.u32 s1, s0  }
0x34: {  	s0 =	sadd.s32 $0x8F2B, s0  }
0x35: {  	[sflag:s0] =	ssyncadd.remote.s32 $0x1  }
0x36: {  	_ =	sfence.sel $0xFFFF  }
0x37: {  	[dreg:$0x0] =	wrdreg $0xFFFFFFFF;
	(pc) =	sbr.abs _section_cstart, $3  }
0x38: {  	[dreg:$0x1] =	wrdreg $0xFFFFFFFF  }
0x39: {  	_ =	task.clear_ibuf [dreg:s7], $0x2FFFF;
	_ =	strace $0x9FFFFFFF  }
0x3a: {  	(tm) =	ssettm $0x7FFFFFFF  }
0x3b: {  	_ =	shalt  }
tec
execute0_lowered:
.L_overlay_start_1:
0x0: {  	(tag) =	ssettag $0x1  }
0x1: {  	s0 =	srdreg.scid  }
0x2: {  	s1 =	sshll.u32 s0, $0x4  }
0x3: {  	s0 =	stileid.u32;
	s1 =	sand.u32 $0x10, s1  }
0x4: {  	s1 =	sor.u32 s0, s1  }
0x5: {  	s6 =	rddreg [dreg:$0x0];
	s4 =	simm.s32 $0x1;
	s2 =	sshll.u32 s1, $0x7  }
0x6: {  	s7 =	simm.s32 $0x2;
	s12 =	simm.s32 $0x0;
	s1 =	ssub.s32 $0x1000, s2  }
0x7: {  	s8 =	simm.s32 $0x8000;
	s13 =	simm.s32 $0x0;
	s3 =	sand.u32 $0xF80, s1  }
0x8: {  	s9 =	simm.s32 $0x0;
	s5 =	sshrl.u32 s1, $0xC;
	p0 =	sne.s32 s3, $0x0  }
.Ltmp0:
0x9: {  	s1 =	rddreg [dreg:$0x2];
	s4 =	simm.s32 @!p0 $0x0;
	(pc) =	sbr.rel .LBB1_1-.Ltmp0, $4  }
0xa: {  	s11 =	simm.s32 $0x0;
	s3 =	rddreg [dreg:$0x1];
	s5 =	sadd.s32 s4, s5  }
0xb: {  	_ =	strace $0x80000051;
	s4 =	simm.s32 $0x1;
	s5 =	smul.u32 $0x32, s5  }
0xc: {  	s6 =	sadd.s32 $0x1000, s6;
	s10 =	smov.u32 s2;
	[sflag:s4] =	ssyncpa.u1 $0x0  }
0xd: {  	p0 =	por $0x0, $0x0;
	[sflag:s7] =	ssyncpa.u1 $0x0;
	s7 =	sor.u32 $0x1, s5  }
.LBB1_4:
0xe: {  	s16 =	sshll.u32 s13, $0x3;
	s17 =	sand.u32 $0x78, s13  }
0xf: {  	s30 =	sand.u32 $0x7E00, s13;
	s12 =	sshll.u32 s12, $0xF;
	s16 =	sand.u32 $0xC00, s16  }
0x10: {  	[tilespmem:s15+$0x810 ss:$0x81] =	vst.msk $0xffff, v2;
	s31 =	sand.u32 $0x7, s13;
	s16 =	sor.u32 s17, s16;
	s17 =	sadd.s32 s3, s30  }
0x11: {  	[tilespmem:s15+$0x1020 ss:$0x81] =	vst.msk $0xffff, v0;
	s13 =	sshll.u32 s31, $0x12;
	s12 =	sadd.s32 s12, s17;
	s16 =	sshrl.u32 s16, $0x3  }
0x12: {  	[tilespmem:s15+$0x0 ss:$0x81] =	vst.msk $0xffff, v1;
	s13 =	sor.u32 $0x400, s13;
	s12 =	sadd.s32 s16, s12  }
0x13: {  	[hbm4b:s12+s13] =	stream.strided.scatter [tilespmem:s14], [sflag:$0x2], $0x2000, s8, s13, $0x20;
	[tilespmem:$0x8080] =	vst v63  }
.LBB1_5:
0x14: {  	s14 =	sadd.s32 $0x1, s9  }
0x15: {  	s12 =	sadd.s32 $0x1000, s10;
	s16 =	smov.u32 s10;
	p2 =	sgt.s32 s14, $0x31  }
0x16: {  	s16 =	smov.u32 @p2 s12  }
0x17: {  	s14 =	simm.s32 @p2 $0x0;
	p2 =	sgt.s32 s16, $0xFFF  }
0x18: {  	s16 =	smov.u32 @p2 s2;
	p2 =	sne.s32 s11, s7  }
.Ltmp1:
0x19: {  	p1 =	slt.u32 s11, $0x2;
	(pc) =	sbr.rel @!p2 .LBB1_6-.Ltmp1, $4  }
0x1a: {  	s15 =	simm.s32 @!p1 $0x2  }
0x1b: {  	s13 =	smov.u32 s10;
	p0 =	por !p0, !p0;
	_ =	swait.ge @!p1 [sflag:s15], $0x2000  }
0x1c: {  	s12 =	smov.u32 s9;
	[sflag:s15] =	ssyncset.done @!p1 $0x0;
	s9 =	smov.u32 s14  }
0x1d: {  	s11 =	sadd.s32 $0x1, s11;
	[sflag:s15] =	ssyncadd.s32 @!p1 $0xFFFFE000;
	s10 =	smov.u32 s16  }
.LBB1_1:
0x1e: {  	p1 =	sge.u32 s11, s5  }
0x1f: {  	s14 =	sand.u32 @!p1 $0x1FFFFFF, s9  }
0x20: {  	s15 =	smulhi.u32 @!p1 $0x4924925, s14;
	_ =	sdelay $0x1  }
0x21: {  	s15 =	smul.u32 @!p1 $0x38, s15  }
0x22: {  	s16 =	sxor.u32 @!p1 $0xFFFFFFFF, s11;
	s17 =	smul.u32 @!p1 $0x380, s10  }
0x23: {  	s31 =	sadd.s32 $0xFFFFFFFF, s11;
	s16 =	sshll.u32 @!p1 s16, $0xD;
	s14 =	ssub.s32 @!p1 s14, s15  }
0x24: {  	s15 =	sand.u32 @!p1 $0x2000, s16;
	s16 =	sadd.s32 @!p1 s6, s17;
	s14 =	sshll.u32 @!p1 s14, $0x4  }
0x25: {  	s17 =	simm.s32 @!p1 $0x1C00;
	s14 =	sadd.s32 @!p1 s14, s16;
	s16 =	simm.s32 @!p1 $0x40  }
0x26: {  	[tilespmem:s15], [sflag:$0x1] =	stream.strided.gather @!p1 [hbm4b:s14+s16], $0x2000, s17, s16, $0x38;
	[tilespmem:$0x8080] =	vst v63  }
0x27: {  	p1 =	sge.u32 s31, s5  }
.Ltmp2:
0x28: {  	_ = 	snop;
	(pc) =	sbr.rel @p1 .LBB1_5-.Ltmp2, $1  }
0x29: {  	_ =	sdelay $0x3  }
0x2a: {  	s14 =	simm.s32 $0x1  }
0x2b: {  	_ =	swait.ge [sflag:s4], $0x2000;
	s14 =	simm.s32 @!p0 $0x0  }
0x2c: {  	[sflag:s4] =	ssyncset.done $0x0;
	s15 =	sshll.u32 s14, $0xD  }
0x2d: {  	[sflag:s4] =	ssyncadd.s32 $0xFFFFE000;
	s18 =	sor.u32 $0x20, s15  }
0x2e: {  	s14 =	smul.u32 $0x8100, s14;
	v3 =	vld [tilespmem:s18+$0x10]  }
0x2f: {  	s30 =	sand.u32 $0x1, s11;
	v2 =	vld [tilespmem:s18+$0xFFFFFFF0]  }
0x30: {  	s15 =	smul.u32 $0x8100, s30;
	s14 =	sshrl.u32 s14, $0x2;
	v0 =	vld [tilespmem:s18+$0x0]  }
0x31: {  	v1 =	vld [tilespmem:s18+$0xFFFFFFE0];
	s16 =	sor.u32 $0x4000, s14  }
0x32: {  	s31 =	sshrl.u32 s15, $0x2;
	s15 =	sadd.s32 $0x0, s16  }
0x33: {  	s17 =	simm.s32 $0x4;
	s18 =	sadd.s32 $0x40, s18;
	s14 =	sor.u32 $0x4000, s31;
	[tilespmem:s15+$0x1830 ss:$0x81] =	vst.msk $0xffff, v3  }
.LBB1_3:
0x34: {  	v3 =	vld [tilespmem:s18+$0x10];
	p1 =	sne.s32 s17, $0x1FC;
	[tilespmem:s15+$0x810 ss:$0x81] =	vst.msk $0xffff, v2;
	s19 =	smov.u32 s17;
	s17 =	sadd.s32 $0x4, s17  }
.Ltmp3:
0x35: {  	v2 =	vld [tilespmem:s18+$0xFFFFFFF0];
	[tilespmem:s15+$0x1020 ss:$0x81] =	vst.msk $0xffff, v0;
	(pc) =	sbr.rel @p1 .LBB1_3-.Ltmp3, $4  }
0x36: {  	v0 =	vld [tilespmem:s18+$0x0];
	[tilespmem:s15+$0x0 ss:$0x81] =	vst.msk $0xffff, v1  }
0x37: {  	s15 =	sshra.s32 s19, $0x2;
	v1 =	vld [tilespmem:s18+$0xFFFFFFE0]  }
0x38: {  	s15 =	sadd.s32 s15, s16  }
0x39: {  	s18 =	sadd.s32 $0x40, s18;
	[tilespmem:s15+$0x1830 ss:$0x81] =	vst.msk $0xffff, v3  }
.Ltmp4:
0x3a: {  	_ = 	snop;
	(pc) =	sbr.rel .LBB1_4-.Ltmp4, $1  }
0x3b: {  	_ =	sdelay $0x3  }
.LBB1_6:
0x3c: {  	_ =	sfence.sel $0x180000  }
0x3d: {  	s2 =	simm.s32 $0x1;
	[bflag:$0x0] =	sbarrier.arrive $0xFFFF  }
0x3e: {  	s31 =	simm.s32 $0x2;
	[sflag:s2] =	ssyncpa.u1 $0x1  }
0x3f: {  	[sflag:s31] =	ssyncpa.u1 $0x1  }
0x40: {  	p0 =	sne.s32 s0, $0x0;
	_ =	strace $0x90000051  }
0x41: {  	s0 =	sadd.s32 @!p0 $0x100000, s1;
	[bflag:$0x2] =	sbarrier.arrive $0xFFFF  }
0x42: {  	[sflag:s0] =	ssyncadd.tile.s32 @!p0 $0x1;
	_ =	shalt  }
.Lfunc_end1:
_tile_overlayer_lowered:
.L_overlay_start_2:
0x43: {  	(tag) =	ssettag $0x2  }
0x44: {  	s0 =	rddreg [dreg:$0x0];
	s2 =	stileid.u32  }
0x45: {  	s1 =	rddreg [dreg:$0x1];
	p0 =	sne.s32 s2, $0x0  }
0x46: {  	s3 =	rddreg [dreg:$0x2];
	[bflag:$0x3] =	sbarrier.arrive $0xFFFF;
	s2 =	simm.s32 @!p0 $0x1C01  }
0x47: {  	[timem:s3], [sflag:s2] =	dma.local @!p0 [hbm:s0], s1  }
0x48: {  	s0 =	simm.s32 @!p0 $0x1  }
0x49: {  	_ =	swait.ge @!p0 [sflag:s0], s1  }
0x4a: {  	s1 =	ssub.s32 @!p0 $0x0, s1;
	[sflag:s0] =	ssyncset.done @!p0 $0x0  }
0x4b: {  	[sflag:s0] =	ssyncadd.s32 @!p0 s1  }
0x4c: {  	[bflag:$0x3] =	sbarrier.arrive $0xFFFF  }
0x4d: {  	_ =	shalt  }

</sc_bundles>
